<compile_context>
chip_gen: v7x
topology: tpu7x:2x2x1
jax: 0.10.2.dev20260603
libtpu: 0.0.44.dev20260713+nightly
codegen_flags: <defaults>
</compile_context>

<pallas_src>
import functools

import jax
import jax.numpy as jnp
from jax import lax
from jax.experimental import pallas as pl
from jax.experimental.pallas import tpu as pltpu
from jax.experimental.pallas import tpu_sc as plsc

_NC = 2
_NS = 16
_NW = _NC * _NS
_CH = 128


def _acc_rows(n_nodes):
  return (n_nodes // 256 + 1) * 256


def _seg_loop(table, src_v, dst_v, rows_v, sem, acc, chunks, cnt_pair=None):

  def body(j, carry):
    pltpu.async_copy(table.at[src_v.at[j]], rows_v, sem).wait()
    pltpu.sync_copy(rows_v, acc.at[dst_v.at[j]], add=True)
    if cnt_pair is not None:
      ones_v, cnt_acc, csem = cnt_pair
      del csem
      pltpu.sync_copy(ones_v, cnt_acc.at[dst_v.at[j]], add=True)
    return carry

  lax.fori_loop(0, chunks, body, 0)


def _make_seg1(n_nodes, width, chunks_per_tile):
  acc_rows = _acc_rows(n_nodes)
  zchunk = acc_rows // _NS
  mesh = plsc.VectorSubcoreMesh(core_axis_name="c", subcore_axis_name="s")

  @functools.partial(
      pl.kernel,
      out_type=[jax.ShapeDtypeStruct((_NC, acc_rows, width), jnp.float32),
                jax.ShapeDtypeStruct((_NC, acc_rows), jnp.float32)],
      mesh=mesh,
      scratch_types=[
          pltpu.VMEM_SHARED((acc_rows, width), jnp.float32),
          pltpu.VMEM_SHARED((acc_rows,), jnp.float32),
          pltpu.VMEM((chunks_per_tile, _CH), jnp.int32),
          pltpu.VMEM((chunks_per_tile, _CH), jnp.int32),
          pltpu.VMEM((_CH, width), jnp.float32),
          pltpu.VMEM((_CH,), jnp.float32),
          pltpu.SemaphoreType.DMA,
          pltpu.SemaphoreType.DMA,
      ],
      compiler_params=pltpu.CompilerParams(use_tc_tiling_on_sc=False, needs_layout_passes=False),
  )
  def seg1(table, srcb, dstb, zrows, zcnt, out, cnt_out,
           acc, cnt_acc, src_v, dst_v, rows_v, ones_v, sem, csem):
    c = lax.axis_index("c")
    s = lax.axis_index("s")
    wid = c * _NS + s
    pltpu.sync_copy(zrows, acc.at[pl.ds(s * zchunk, zchunk)])
    pltpu.sync_copy(zcnt, cnt_acc.at[pl.ds(s * zchunk, zchunk)])
    for i in range(_CH // 16):
      ones_v[pl.ds(i * 16, 16)] = jnp.ones((16,), jnp.float32)
    pltpu.sync_copy(srcb.at[wid], src_v)
    pltpu.sync_copy(dstb.at[wid], dst_v)
    plsc.subcore_barrier()
    _seg_loop(table, src_v, dst_v, rows_v, sem, acc, chunks_per_tile,
              cnt_pair=(ones_v, cnt_acc, csem))
    plsc.subcore_barrier()
    pltpu.sync_copy(acc.at[pl.ds(s * zchunk, zchunk)],
                    out.at[c, pl.ds(s * zchunk, zchunk)])
    pltpu.sync_copy(cnt_acc.at[pl.ds(s * zchunk, zchunk)],
                    cnt_out.at[c, pl.ds(s * zchunk, zchunk)])

  return seg1


def _make_seg2(n_nodes, width, chunks_per_tile):
  acc_rows = _acc_rows(n_nodes)
  zchunk = acc_rows // _NS
  mesh = plsc.VectorSubcoreMesh(core_axis_name="c", subcore_axis_name="s")

  @functools.partial(
      pl.kernel,
      out_type=[jax.ShapeDtypeStruct((_NC, acc_rows, width), jnp.float32),
                jax.ShapeDtypeStruct((_NC, acc_rows, width), jnp.float32)],
      mesh=mesh,
      scratch_types=[
          pltpu.VMEM_SHARED((acc_rows, width), jnp.float32),
          pltpu.VMEM((chunks_per_tile, _CH), jnp.int32),
          pltpu.VMEM((chunks_per_tile, _CH), jnp.int32),
          pltpu.VMEM((_CH, width), jnp.float32),
          pltpu.VMEM((zchunk, width), jnp.float32),
          pltpu.VMEM((zchunk, width), jnp.float32),
          pltpu.VMEM((zchunk, width), jnp.float32),
          pltpu.VMEM((zchunk,), jnp.float32),
          pltpu.VMEM((zchunk,), jnp.float32),
          pltpu.SemaphoreType.DMA,
      ],
      compiler_params=pltpu.CompilerParams(use_tc_tiling_on_sc=False, needs_layout_passes=False),
  )
  def seg2(part1, cnts, q1p, srcb, dstb, zrows, out, h_out,
           acc, src_v, dst_v, rows_v, s0_v, s1_v, q_v, cnt_v, cnt1_v, sem):
    c = lax.axis_index("c")
    s = lax.axis_index("s")
    wid = c * _NS + s
    sl = pl.ds(s * zchunk, zchunk)
    pltpu.sync_copy(zrows, acc.at[sl])
    pltpu.sync_copy(srcb.at[wid], src_v)
    pltpu.sync_copy(dstb.at[wid], dst_v)
    pltpu.sync_copy(part1.at[0, sl], s0_v)
    pltpu.sync_copy(part1.at[1, sl], s1_v)
    pltpu.sync_copy(q1p.at[sl], q_v)
    pltpu.sync_copy(cnts.at[0, sl], cnt_v)
    pltpu.sync_copy(cnts.at[1, sl], cnt1_v)

    def cbody(k, carry):
      d = pl.ds(k * 16, 16)
      cnt_v[d] = jnp.maximum(cnt_v[d] + cnt1_v[d], 1.0)
      return carry

    lax.fori_loop(0, zchunk // 16, cbody, 0)

    def hbody(i, carry):
      bc = plsc.load_gather(cnt_v, [jnp.full((16,), i, jnp.int32)])
      s0_v[i] = jnp.maximum((s0_v[i] + s1_v[i]) / bc + q_v[i], 0.0)
      return carry

    lax.fori_loop(0, zchunk, hbody, 0)
    pltpu.sync_copy(s0_v, h_out.at[c, sl])
    plsc.subcore_barrier()
    _seg_loop(h_out.at[c], src_v, dst_v, rows_v, sem, acc, chunks_per_tile)
    plsc.subcore_barrier()
    pltpu.sync_copy(acc.at[sl], out.at[c, sl])

  return seg2


def _lin_body(x_ref, w_ref, b_ref, o_ref):
  o_ref[...] = lax.dot_general(
      x_ref[...], w_ref[...], (((1,), (1,)), ((), ())),
      preferred_element_type=jnp.float32) + b_ref[...]


def _out_body(n, part2_ref, cnts_ref, h_ref, w_ref, b_ref, o_ref):
  cnt = jnp.maximum(cnts_ref[0, :n] + cnts_ref[1, :n], 1.0)[:, None]
  mean2 = (part2_ref[0, :n, :] + part2_ref[1, :n, :]) / cnt
  z = lax.dot_general(
      jnp.concatenate([mean2, h_ref[0, :n, :]], axis=1), w_ref[...],
      (((1,), (1,)), ((), ())), preferred_element_type=jnp.float32) + b_ref[...]
  z = z - jnp.max(z, axis=1, keepdims=True)
  o_ref[...] = z - jnp.log(jnp.sum(jnp.exp(z), axis=1, keepdims=True))


def kernel(x, edge_index, W1l, b1l, W1r, W2l, b2l, W2r):
  n = x.shape[0]
  e = edge_index.shape[1]
  hid = W1l.shape[0]
  out_ch = W2l.shape[0]

  src = edge_index[0].astype(jnp.int32)
  dst = edge_index[1].astype(jnp.int32)
  per = _NW * _CH
  chunks = -(-e // per)
  pad = chunks * per - e
  srcb = jnp.concatenate([src, jnp.zeros((pad,), jnp.int32)]).reshape(
      _NW, chunks, _CH)
  dstb = jnp.concatenate([dst, jnp.full((pad,), n, jnp.int32)]).reshape(
      _NW, chunks, _CH)

  npad = _acc_rows(n)
  zrows = jnp.zeros((npad // _NS, hid), jnp.float32)
  zcnt = jnp.zeros((npad // _NS,), jnp.float32)

  w1 = jnp.concatenate([W1l, W1r], axis=0)
  bias1 = jnp.concatenate([jnp.zeros((hid,), jnp.float32), b1l])[None, :]
  pq1 = pl.pallas_call(
      _lin_body,
      out_shape=jax.ShapeDtypeStruct((n, 2 * hid), jnp.float32),
  )(x, w1, bias1)

  part1, cnts = _make_seg1(n, hid, chunks)(pq1[:, :hid], srcb, dstb,
                                           zrows, zcnt)

  q1p = jnp.concatenate(
      [pq1[:, hid:], jnp.zeros((npad - n, hid), jnp.float32)])
  part2, h_out = _make_seg2(n, out_ch, chunks)(part1, cnts, q1p,
                                               srcb, dstb, zrows)

  w2 = jnp.concatenate([W2l, W2r], axis=1)
  out = pl.pallas_call(
      functools.partial(_out_body, n),
      out_shape=jax.ShapeDtypeStruct((n, out_ch), jnp.float32),
  )(part2, cnts, h_out, w2, b2l[None, :])
  return out

# --- scband reference (transcript-rebuilt; emitter-appended) ---
"""Pipeline reference for scband-graph-sage-29618094473879 (READ-ONLY COPY).

The authoritative reference and input builder live on the scoring server;
editing this copy changes nothing except your own understanding.
"""

import jax, jax.numpy as jnp
import numpy as np

N_NODES = 10000
N_EDGES = 320000
IN_CH = 128
HID_CH = 16
OUT_CH = 16


def _glorot(key, shape):
    fan_in, fan_out = shape[1], shape[0]
    lim = jnp.sqrt(6.0 / (fan_in + fan_out))
    return jax.random.uniform(key, shape, minval=-lim, maxval=lim, dtype=jnp.float32)


def setup_inputs(seed: int = 0) -> dict:
    key = jax.random.key(seed)
    ks = jax.random.split(key, 8)
    x = jax.random.normal(ks[0], (N_NODES, IN_CH), dtype=jnp.float32)
    edge_index = jax.random.randint(ks[1], (2, N_EDGES), 0, N_NODES, dtype=jnp.int64)
    W1l = _glorot(ks[2], (HID_CH, IN_CH))
    b1l = jnp.zeros((HID_CH,), dtype=jnp.float32)
    W1r = _glorot(ks[3], (HID_CH, IN_CH))
    W2l = _glorot(ks[4], (OUT_CH, HID_CH))
    b2l = jnp.zeros((OUT_CH,), dtype=jnp.float32)
    W2r = _glorot(ks[5], (OUT_CH, HID_CH))
    return {"x": x, "edge_index": edge_index, "W1l": W1l, "b1l": b1l, "W1r": W1r, "W2l": W2l, "b2l": b2l, "W2r": W2r}


def _sage_conv(x, edge_index, Wl, bl, Wr):
    # PyG SAGEConv: out = lin_l(mean_{j in N(i)} x_j) + lin_r(x_i)
    src = edge_index[0]
    dst = edge_index[1]
    n = x.shape[0]
    msgs = jnp.take(x, src, axis=0)                      # gather neighbor feats
    agg = jax.ops.segment_sum(msgs, dst, num_segments=n)  # scatter-add
    cnt = jax.ops.segment_sum(jnp.ones((edge_index.shape[1],), dtype=x.dtype), dst, num_segments=n)
    mean = agg / jnp.clip(cnt, 1.0, None)[:, None]
    return mean @ Wl.T + bl + x @ Wr.T


def reference(x, edge_index, W1l, b1l, W1r, W2l, b2l, W2r):
    h = _sage_conv(x, edge_index, W1l, b1l, W1r)
    h = jax.nn.relu(h)
    # dropout omitted (identity) for deterministic reference
    h = _sage_conv(h, edge_index, W2l, b2l, W2r)
    return jax.nn.log_softmax(h, axis=1)

if __name__ == "__main__":
    import jax
    _d = setup_inputs()
    print(jax.jit(kernel)(*tuple(_d.values())))

</pallas_src>

<mosaic_0001>
#map = affine_map<(d0, d1) -> (0, 0, 0)>
#map1 = affine_map<(d0, d1) -> (0, 0)>
module attributes {stable_mosaic.version = 14 : i64} {
  func.func @seg2(%arg0: i32, %arg1: i32, %arg2: memref<2x10240x16xf32, #tpu.memory_space<hbm>>, %arg3: memref<2x10240xf32, #tpu.memory_space<hbm>>, %arg4: memref<10240x16xf32, #tpu.memory_space<hbm>>, %arg5: memref<32x79x128xi32, #tpu.memory_space<hbm>>, %arg6: memref<32x79x128xi32, #tpu.memory_space<hbm>>, %arg7: memref<640x16xf32, #tpu.memory_space<hbm>>, %arg8: memref<2x10240x16xf32, #tpu.memory_space<hbm>>, %arg9: memref<2x10240x16xf32, #tpu.memory_space<hbm>>, %arg10: memref<10240x16xf32, #tpu.memory_space<vmem_shared>>, %arg11: memref<79x128xi32, #tpu.memory_space<vmem>>, %arg12: memref<79x128xi32, #tpu.memory_space<vmem>>, %arg13: memref<128x16xf32, #tpu.memory_space<vmem>>, %arg14: memref<640x16xf32, #tpu.memory_space<vmem>>, %arg15: memref<640x16xf32, #tpu.memory_space<vmem>>, %arg16: memref<640x16xf32, #tpu.memory_space<vmem>>, %arg17: memref<640xf32, #tpu.memory_space<vmem>>, %arg18: memref<640xf32, #tpu.memory_space<vmem>>, %arg19: memref<!tpu.dma_semaphore, #tpu.memory_space<semaphore_mem>>) attributes {dimension_semantics = [#tpu.dimension_semantics<core_parallel>, #tpu.dimension_semantics<subcore_parallel>], iteration_bounds = array<i64: 2, 16>, scalar_prefetch = 0 : i64, scratch_operands = 10 : i64, tpu.core_type = #tpu.core_type<sc_vector_subcore>, window_params = [{transform_indices = #map}, {transform_indices = #map1}, {transform_indices = #map1}, {transform_indices = #map}, {transform_indices = #map}, {transform_indices = #map1}, {transform_indices = #map}, {transform_indices = #map}]} {
    %mul3A = arith.constant 16 : i32
    %mul3A_0 = arith.muli %arg0, %mul3A : i32
    %add3A = arith.addi %mul3A_0, %arg1 : i32
    %mul3A_1 = arith.constant 640 : i32
    %mul3A_2 = arith.muli %arg1, %mul3A_1 : i32
    "tpu.region"() ({
      %run_scoped3A_24 = tpu.sem_alloc : memref<!tpu.dma_semaphore, #tpu.memory_space<semaphore_mem>>
      %dma_start3A = arith.constant 0 : i32
      %dma_start3A_25 = tpu.memref_slice %arg10[%mul3A_2, %dma_start3A] : memref<10240x16xf32, #tpu.memory_space<vmem_shared>> -> memref<640x16xf32, #tpu.memory_space<vmem_shared>>
      tpu.enqueue_dma source(%arg7 : memref<640x16xf32, #tpu.memory_space<hbm>>) target(%dma_start3A_25 : memref<640x16xf32, #tpu.memory_space<vmem_shared>>) target_semaphore(%run_scoped3A_24 : memref<!tpu.dma_semaphore, #tpu.memory_space<semaphore_mem>>)
      %dma_wait3A = arith.constant 0 : i32
      %dma_wait3A_26 = tpu.memref_slice %arg10[%mul3A_2, %dma_wait3A] : memref<10240x16xf32, #tpu.memory_space<vmem_shared>> -> memref<640x16xf32, #tpu.memory_space<vmem_shared>>
      tpu.wait_dma2 semaphore(%run_scoped3A_24 : memref<!tpu.dma_semaphore, #tpu.memory_space<semaphore_mem>>) src(%arg7 : memref<640x16xf32, #tpu.memory_space<hbm>>) dst(%dma_wait3A_26 : memref<640x16xf32, #tpu.memory_space<vmem_shared>>)
      tpu.yield
    }) : () -> ()
    "tpu.region"() ({
      %run_scoped3A_24 = tpu.sem_alloc : memref<!tpu.dma_semaphore, #tpu.memory_space<semaphore_mem>>
      %dma_start3A = arith.constant 0 : i32
      %dma_start3A_25 = arith.constant 0 : i32
      %dma_start3A_26 = tpu.memref_slice %arg5[%add3A, %dma_start3A, %dma_start3A_25] : memref<32x79x128xi32, #tpu.memory_space<hbm>> -> memref<1x79x128xi32, #tpu.memory_space<hbm>>
      %dma_start3A_27 = tpu.memref_squeeze %dma_start3A_26 : memref<1x79x128xi32, #tpu.memory_space<hbm>> -> memref<79x128xi32, #tpu.memory_space<hbm>>
      %dma_start3A_28 = arith.constant 0 : i32
      %dma_start3A_29 = arith.constant 0 : i32
      %dma_start3A_30 = tpu.memref_slice %arg5[%add3A, %dma_start3A_28, %dma_start3A_29] : memref<32x79x128xi32, #tpu.memory_space<hbm>> -> memref<1x79x128xi32, #tpu.memory_space<hbm>>
      %dma_start3A_31 = tpu.memref_squeeze %dma_start3A_30 : memref<1x79x128xi32, #tpu.memory_space<hbm>> -> memref<79x128xi32, #tpu.memory_space<hbm>>
      tpu.enqueue_dma source(%dma_start3A_31 : memref<79x128xi32, #tpu.memory_space<hbm>>) target(%arg11 : memref<79x128xi32, #tpu.memory_space<vmem>>) target_semaphore(%run_scoped3A_24 : memref<!tpu.dma_semaphore, #tpu.memory_space<semaphore_mem>>)
      %dma_wait3A = arith.constant 0 : i32
      %dma_wait3A_32 = arith.constant 0 : i32
      %dma_wait3A_33 = tpu.memref_slice %arg5[%add3A, %dma_wait3A, %dma_wait3A_32] : memref<32x79x128xi32, #tpu.memory_space<hbm>> -> memref<1x79x128xi32, #tpu.memory_space<hbm>>
      %dma_wait3A_34 = tpu.memref_squeeze %dma_wait3A_33 : memref<1x79x128xi32, #tpu.memory_space<hbm>> -> memref<79x128xi32, #tpu.memory_space<hbm>>
      %dma_wait3A_35 = arith.constant 0 : i32
      %dma_wait3A_36 = arith.constant 0 : i32
      %dma_wait3A_37 = tpu.memref_slice %arg5[%add3A, %dma_wait3A_35, %dma_wait3A_36] : memref<32x79x128xi32, #tpu.memory_space<hbm>> -> memref<1x79x128xi32, #tpu.memory_space<hbm>>
      %dma_wait3A_38 = tpu.memref_squeeze %dma_wait3A_37 : memref<1x79x128xi32, #tpu.memory_space<hbm>> -> memref<79x128xi32, #tpu.memory_space<hbm>>
      tpu.wait_dma2 semaphore(%run_scoped3A_24 : memref<!tpu.dma_semaphore, #tpu.memory_space<semaphore_mem>>) src(%dma_wait3A_38 : memref<79x128xi32, #tpu.memory_space<hbm>>) dst(%arg11 : memref<79x128xi32, #tpu.memory_space<vmem>>)
      tpu.yield
    }) : () -> ()
    "tpu.region"() ({
      %run_scoped3A_24 = tpu.sem_alloc : memref<!tpu.dma_semaphore, #tpu.memory_space<semaphore_mem>>
      %dma_start3A = arith.constant 0 : i32
      %dma_start3A_25 = arith.constant 0 : i32
      %dma_start3A_26 = tpu.memref_slice %arg6[%add3A, %dma_start3A, %dma_start3A_25] : memref<32x79x128xi32, #tpu.memory_space<hbm>> -> memref<1x79x128xi32, #tpu.memory_space<hbm>>
      %dma_start3A_27 = tpu.memref_squeeze %dma_start3A_26 : memref<1x79x128xi32, #tpu.memory_space<hbm>> -> memref<79x128xi32, #tpu.memory_space<hbm>>
      %dma_start3A_28 = arith.constant 0 : i32
      %dma_start3A_29 = arith.constant 0 : i32
      %dma_start3A_30 = tpu.memref_slice %arg6[%add3A, %dma_start3A_28, %dma_start3A_29] : memref<32x79x128xi32, #tpu.memory_space<hbm>> -> memref<1x79x128xi32, #tpu.memory_space<hbm>>
      %dma_start3A_31 = tpu.memref_squeeze %dma_start3A_30 : memref<1x79x128xi32, #tpu.memory_space<hbm>> -> memref<79x128xi32, #tpu.memory_space<hbm>>
      tpu.enqueue_dma source(%dma_start3A_31 : memref<79x128xi32, #tpu.memory_space<hbm>>) target(%arg12 : memref<79x128xi32, #tpu.memory_space<vmem>>) target_semaphore(%run_scoped3A_24 : memref<!tpu.dma_semaphore, #tpu.memory_space<semaphore_mem>>)
      %dma_wait3A = arith.constant 0 : i32
      %dma_wait3A_32 = arith.constant 0 : i32
      %dma_wait3A_33 = tpu.memref_slice %arg6[%add3A, %dma_wait3A, %dma_wait3A_32] : memref<32x79x128xi32, #tpu.memory_space<hbm>> -> memref<1x79x128xi32, #tpu.memory_space<hbm>>
      %dma_wait3A_34 = tpu.memref_squeeze %dma_wait3A_33 : memref<1x79x128xi32, #tpu.memory_space<hbm>> -> memref<79x128xi32, #tpu.memory_space<hbm>>
      %dma_wait3A_35 = arith.constant 0 : i32
      %dma_wait3A_36 = arith.constant 0 : i32
      %dma_wait3A_37 = tpu.memref_slice %arg6[%add3A, %dma_wait3A_35, %dma_wait3A_36] : memref<32x79x128xi32, #tpu.memory_space<hbm>> -> memref<1x79x128xi32, #tpu.memory_space<hbm>>
      %dma_wait3A_38 = tpu.memref_squeeze %dma_wait3A_37 : memref<1x79x128xi32, #tpu.memory_space<hbm>> -> memref<79x128xi32, #tpu.memory_space<hbm>>
      tpu.wait_dma2 semaphore(%run_scoped3A_24 : memref<!tpu.dma_semaphore, #tpu.memory_space<semaphore_mem>>) src(%dma_wait3A_38 : memref<79x128xi32, #tpu.memory_space<hbm>>) dst(%arg12 : memref<79x128xi32, #tpu.memory_space<vmem>>)
      tpu.yield
    }) : () -> ()
    %run_scoped3A = arith.constant 0 : i32
    "tpu.region"() ({
      %run_scoped3A_24 = tpu.sem_alloc : memref<!tpu.dma_semaphore, #tpu.memory_space<semaphore_mem>>
      %dma_start3A = arith.constant 0 : i32
      %dma_start3A_25 = tpu.memref_slice %arg2[%run_scoped3A, %mul3A_2, %dma_start3A] : memref<2x10240x16xf32, #tpu.memory_space<hbm>> -> memref<1x640x16xf32, #tpu.memory_space<hbm>>
      %dma_start3A_26 = tpu.memref_squeeze %dma_start3A_25 : memref<1x640x16xf32, #tpu.memory_space<hbm>> -> memref<640x16xf32, #tpu.memory_space<hbm>>
      %dma_start3A_27 = arith.constant 0 : i32
      %dma_start3A_28 = tpu.memref_slice %arg2[%run_scoped3A, %mul3A_2, %dma_start3A_27] : memref<2x10240x16xf32, #tpu.memory_space<hbm>> -> memref<1x640x16xf32, #tpu.memory_space<hbm>>
      %dma_start3A_29 = tpu.memref_squeeze %dma_start3A_28 : memref<1x640x16xf32, #tpu.memory_space<hbm>> -> memref<640x16xf32, #tpu.memory_space<hbm>>
      tpu.enqueue_dma source(%dma_start3A_29 : memref<640x16xf32, #tpu.memory_space<hbm>>) target(%arg14 : memref<640x16xf32, #tpu.memory_space<vmem>>) target_semaphore(%run_scoped3A_24 : memref<!tpu.dma_semaphore, #tpu.memory_space<semaphore_mem>>)
      %dma_wait3A = arith.constant 0 : i32
      %dma_wait3A_30 = tpu.memref_slice %arg2[%run_scoped3A, %mul3A_2, %dma_wait3A] : memref<2x10240x16xf32, #tpu.memory_space<hbm>> -> memref<1x640x16xf32, #tpu.memory_space<hbm>>
      %dma_wait3A_31 = tpu.memref_squeeze %dma_wait3A_30 : memref<1x640x16xf32, #tpu.memory_space<hbm>> -> memref<640x16xf32, #tpu.memory_space<hbm>>
      %dma_wait3A_32 = arith.constant 0 : i32
      %dma_wait3A_33 = tpu.memref_slice %arg2[%run_scoped3A, %mul3A_2, %dma_wait3A_32] : memref<2x10240x16xf32, #tpu.memory_space<hbm>> -> memref<1x640x16xf32, #tpu.memory_space<hbm>>
      %dma_wait3A_34 = tpu.memref_squeeze %dma_wait3A_33 : memref<1x640x16xf32, #tpu.memory_space<hbm>> -> memref<640x16xf32, #tpu.memory_space<hbm>>
      tpu.wait_dma2 semaphore(%run_scoped3A_24 : memref<!tpu.dma_semaphore, #tpu.memory_space<semaphore_mem>>) src(%dma_wait3A_34 : memref<640x16xf32, #tpu.memory_space<hbm>>) dst(%arg14 : memref<640x16xf32, #tpu.memory_space<vmem>>)
      tpu.yield
    }) : () -> ()
    %run_scoped3A_3 = arith.constant 1 : i32
    "tpu.region"() ({
      %run_scoped3A_24 = tpu.sem_alloc : memref<!tpu.dma_semaphore, #tpu.memory_space<semaphore_mem>>
      %dma_start3A = arith.constant 0 : i32
      %dma_start3A_25 = tpu.memref_slice %arg2[%run_scoped3A_3, %mul3A_2, %dma_start3A] : memref<2x10240x16xf32, #tpu.memory_space<hbm>> -> memref<1x640x16xf32, #tpu.memory_space<hbm>>
      %dma_start3A_26 = tpu.memref_squeeze %dma_start3A_25 : memref<1x640x16xf32, #tpu.memory_space<hbm>> -> memref<640x16xf32, #tpu.memory_space<hbm>>
      %dma_start3A_27 = arith.constant 0 : i32
      %dma_start3A_28 = tpu.memref_slice %arg2[%run_scoped3A_3, %mul3A_2, %dma_start3A_27] : memref<2x10240x16xf32, #tpu.memory_space<hbm>> -> memref<1x640x16xf32, #tpu.memory_space<hbm>>
      %dma_start3A_29 = tpu.memref_squeeze %dma_start3A_28 : memref<1x640x16xf32, #tpu.memory_space<hbm>> -> memref<640x16xf32, #tpu.memory_space<hbm>>
      tpu.enqueue_dma source(%dma_start3A_29 : memref<640x16xf32, #tpu.memory_space<hbm>>) target(%arg15 : memref<640x16xf32, #tpu.memory_space<vmem>>) target_semaphore(%run_scoped3A_24 : memref<!tpu.dma_semaphore, #tpu.memory_space<semaphore_mem>>)
      %dma_wait3A = arith.constant 0 : i32
      %dma_wait3A_30 = tpu.memref_slice %arg2[%run_scoped3A_3, %mul3A_2, %dma_wait3A] : memref<2x10240x16xf32, #tpu.memory_space<hbm>> -> memref<1x640x16xf32, #tpu.memory_space<hbm>>
      %dma_wait3A_31 = tpu.memref_squeeze %dma_wait3A_30 : memref<1x640x16xf32, #tpu.memory_space<hbm>> -> memref<640x16xf32, #tpu.memory_space<hbm>>
      %dma_wait3A_32 = arith.constant 0 : i32
      %dma_wait3A_33 = tpu.memref_slice %arg2[%run_scoped3A_3, %mul3A_2, %dma_wait3A_32] : memref<2x10240x16xf32, #tpu.memory_space<hbm>> -> memref<1x640x16xf32, #tpu.memory_space<hbm>>
      %dma_wait3A_34 = tpu.memref_squeeze %dma_wait3A_33 : memref<1x640x16xf32, #tpu.memory_space<hbm>> -> memref<640x16xf32, #tpu.memory_space<hbm>>
      tpu.wait_dma2 semaphore(%run_scoped3A_24 : memref<!tpu.dma_semaphore, #tpu.memory_space<semaphore_mem>>) src(%dma_wait3A_34 : memref<640x16xf32, #tpu.memory_space<hbm>>) dst(%arg15 : memref<640x16xf32, #tpu.memory_space<vmem>>)
      tpu.yield
    }) : () -> ()
    "tpu.region"() ({
      %run_scoped3A_24 = tpu.sem_alloc : memref<!tpu.dma_semaphore, #tpu.memory_space<semaphore_mem>>
      %dma_start3A = arith.constant 0 : i32
      %dma_start3A_25 = tpu.memref_slice %arg4[%mul3A_2, %dma_start3A] : memref<10240x16xf32, #tpu.memory_space<hbm>> -> memref<640x16xf32, #tpu.memory_space<hbm>>
      %dma_start3A_26 = arith.constant 0 : i32
      %dma_start3A_27 = tpu.memref_slice %arg4[%mul3A_2, %dma_start3A_26] : memref<10240x16xf32, #tpu.memory_space<hbm>> -> memref<640x16xf32, #tpu.memory_space<hbm>>
      tpu.enqueue_dma source(%dma_start3A_27 : memref<640x16xf32, #tpu.memory_space<hbm>>) target(%arg16 : memref<640x16xf32, #tpu.memory_space<vmem>>) target_semaphore(%run_scoped3A_24 : memref<!tpu.dma_semaphore, #tpu.memory_space<semaphore_mem>>)
      %dma_wait3A = arith.constant 0 : i32
      %dma_wait3A_28 = tpu.memref_slice %arg4[%mul3A_2, %dma_wait3A] : memref<10240x16xf32, #tpu.memory_space<hbm>> -> memref<640x16xf32, #tpu.memory_space<hbm>>
      %dma_wait3A_29 = arith.constant 0 : i32
      %dma_wait3A_30 = tpu.memref_slice %arg4[%mul3A_2, %dma_wait3A_29] : memref<10240x16xf32, #tpu.memory_space<hbm>> -> memref<640x16xf32, #tpu.memory_space<hbm>>
      tpu.wait_dma2 semaphore(%run_scoped3A_24 : memref<!tpu.dma_semaphore, #tpu.memory_space<semaphore_mem>>) src(%dma_wait3A_30 : memref<640x16xf32, #tpu.memory_space<hbm>>) dst(%arg16 : memref<640x16xf32, #tpu.memory_space<vmem>>)
      tpu.yield
    }) : () -> ()
    %run_scoped3A_4 = arith.constant 0 : i32
    "tpu.region"() ({
      %run_scoped3A_24 = tpu.sem_alloc : memref<!tpu.dma_semaphore, #tpu.memory_space<semaphore_mem>>
      %dma_start3A = tpu.memref_slice %arg3[%run_scoped3A_4, %mul3A_2] : memref<2x10240xf32, #tpu.memory_space<hbm>> -> memref<1x640xf32, #tpu.memory_space<hbm>>
      %dma_start3A_25 = tpu.memref_squeeze %dma_start3A : memref<1x640xf32, #tpu.memory_space<hbm>> -> memref<640xf32, #tpu.memory_space<hbm>>
      %dma_start3A_26 = tpu.memref_slice %arg3[%run_scoped3A_4, %mul3A_2] : memref<2x10240xf32, #tpu.memory_space<hbm>> -> memref<1x640xf32, #tpu.memory_space<hbm>>
      %dma_start3A_27 = tpu.memref_squeeze %dma_start3A_26 : memref<1x640xf32, #tpu.memory_space<hbm>> -> memref<640xf32, #tpu.memory_space<hbm>>
      tpu.enqueue_dma source(%dma_start3A_27 : memref<640xf32, #tpu.memory_space<hbm>>) target(%arg17 : memref<640xf32, #tpu.memory_space<vmem>>) target_semaphore(%run_scoped3A_24 : memref<!tpu.dma_semaphore, #tpu.memory_space<semaphore_mem>>)
      %dma_wait3A = tpu.memref_slice %arg3[%run_scoped3A_4, %mul3A_2] : memref<2x10240xf32, #tpu.memory_space<hbm>> -> memref<1x640xf32, #tpu.memory_space<hbm>>
      %dma_wait3A_28 = tpu.memref_squeeze %dma_wait3A : memref<1x640xf32, #tpu.memory_space<hbm>> -> memref<640xf32, #tpu.memory_space<hbm>>
      %dma_wait3A_29 = tpu.memref_slice %arg3[%run_scoped3A_4, %mul3A_2] : memref<2x10240xf32, #tpu.memory_space<hbm>> -> memref<1x640xf32, #tpu.memory_space<hbm>>
      %dma_wait3A_30 = tpu.memref_squeeze %dma_wait3A_29 : memref<1x640xf32, #tpu.memory_space<hbm>> -> memref<640xf32, #tpu.memory_space<hbm>>
      tpu.wait_dma2 semaphore(%run_scoped3A_24 : memref<!tpu.dma_semaphore, #tpu.memory_space<semaphore_mem>>) src(%dma_wait3A_30 : memref<640xf32, #tpu.memory_space<hbm>>) dst(%arg17 : memref<640xf32, #tpu.memory_space<vmem>>)
      tpu.yield
    }) : () -> ()
    %run_scoped3A_5 = arith.constant 1 : i32
    "tpu.region"() ({
      %run_scoped3A_24 = tpu.sem_alloc : memref<!tpu.dma_semaphore, #tpu.memory_space<semaphore_mem>>
      %dma_start3A = tpu.memref_slice %arg3[%run_scoped3A_5, %mul3A_2] : memref<2x10240xf32, #tpu.memory_space<hbm>> -> memref<1x640xf32, #tpu.memory_space<hbm>>
      %dma_start3A_25 = tpu.memref_squeeze %dma_start3A : memref<1x640xf32, #tpu.memory_space<hbm>> -> memref<640xf32, #tpu.memory_space<hbm>>
      %dma_start3A_26 = tpu.memref_slice %arg3[%run_scoped3A_5, %mul3A_2] : memref<2x10240xf32, #tpu.memory_space<hbm>> -> memref<1x640xf32, #tpu.memory_space<hbm>>
      %dma_start3A_27 = tpu.memref_squeeze %dma_start3A_26 : memref<1x640xf32, #tpu.memory_space<hbm>> -> memref<640xf32, #tpu.memory_space<hbm>>
      tpu.enqueue_dma source(%dma_start3A_27 : memref<640xf32, #tpu.memory_space<hbm>>) target(%arg18 : memref<640xf32, #tpu.memory_space<vmem>>) target_semaphore(%run_scoped3A_24 : memref<!tpu.dma_semaphore, #tpu.memory_space<semaphore_mem>>)
      %dma_wait3A = tpu.memref_slice %arg3[%run_scoped3A_5, %mul3A_2] : memref<2x10240xf32, #tpu.memory_space<hbm>> -> memref<1x640xf32, #tpu.memory_space<hbm>>
      %dma_wait3A_28 = tpu.memref_squeeze %dma_wait3A : memref<1x640xf32, #tpu.memory_space<hbm>> -> memref<640xf32, #tpu.memory_space<hbm>>
      %dma_wait3A_29 = tpu.memref_slice %arg3[%run_scoped3A_5, %mul3A_2] : memref<2x10240xf32, #tpu.memory_space<hbm>> -> memref<1x640xf32, #tpu.memory_space<hbm>>
      %dma_wait3A_30 = tpu.memref_squeeze %dma_wait3A_29 : memref<1x640xf32, #tpu.memory_space<hbm>> -> memref<640xf32, #tpu.memory_space<hbm>>
      tpu.wait_dma2 semaphore(%run_scoped3A_24 : memref<!tpu.dma_semaphore, #tpu.memory_space<semaphore_mem>>) src(%dma_wait3A_30 : memref<640xf32, #tpu.memory_space<hbm>>) dst(%arg18 : memref<640xf32, #tpu.memory_space<vmem>>)
      tpu.yield
    }) : () -> ()
    %scan3A = arith.constant 0 : i32
    %scan3A_6 = arith.constant 0 : i32
    %scan3A_7 = arith.constant 40 : i32
    %scan3A_8 = arith.addi %scan3A_6, %scan3A_7 : i32
    %scan3A_9 = arith.constant 1 : i32
    scf.for %scan3A_24 = %scan3A_6 to %scan3A_8 step %scan3A_9  : i32 {
      %mul3A_25 = arith.constant 16 : i32
      %mul3A_26 = arith.muli %scan3A_24, %mul3A_25 : i32
      %get3A = arith.index_cast %mul3A_26 : i32 to index
      %get3A_27 = tpu.vector_load %arg17[%get3A] {strides = array<i32>} : memref<640xf32, #tpu.memory_space<vmem>>, vector<16xf32>,
      %get3A_28 = arith.index_cast %mul3A_26 : i32 to index
      %get3A_29 = tpu.vector_load %arg18[%get3A_28] {strides = array<i32>} : memref<640xf32, #tpu.memory_space<vmem>>, vector<16xf32>,
      %add3A_30 = arith.addf %get3A_27, %get3A_29 : vector<16xf32>
      %max3A = arith.constant 1.000000e+00 : f32
      %max3A_31 = vector.broadcast %max3A : f32 to vector<16xf32>
      %max3A_32 = arith.maximumf %add3A_30, %max3A_31 : vector<16xf32>
      %swap3A = arith.index_cast %mul3A_26 : i32 to index
      %swap3A_33 = tpu.vector_load %arg17[%swap3A] {strides = array<i32>} : memref<640xf32, #tpu.memory_space<vmem>>, vector<16xf32>,
      tpu.vector_store %arg17[%swap3A], %max3A_32 {strides = array<i32>} : memref<640xf32, #tpu.memory_space<vmem>>, vector<16xf32>,
    }
    %scan3A_10 = arith.constant 40 : i32
    %scan3A_11 = arith.constant 0 : i32
    %scan3A_12 = arith.constant 0 : i32
    %scan3A_13 = arith.constant 640 : i32
    %scan3A_14 = arith.addi %scan3A_12, %scan3A_13 : i32
    %scan3A_15 = arith.constant 1 : i32
    scf.for %scan3A_24 = %scan3A_12 to %scan3A_14 step %scan3A_15  : i32 {
      %broadcast_in_dim3A = vector.broadcast %scan3A_24 : i32 to vector<16xi32>
      %gather3A = tpu.vector_load_idx %arg17[%broadcast_in_dim3A] : memref<640xf32, #tpu.memory_space<vmem>>[vector<16xi32>], vector<16xf32>,
      %get3A = arith.index_cast %scan3A_24 : i32 to index
      %get3A_25 = arith.constant 0 : index
      %get3A_26 = tpu.vector_load %arg14[%get3A, %get3A_25] {strides = array<i32>} : memref<640x16xf32, #tpu.memory_space<vmem>>, vector<16xf32>,
      %get3A_27 = arith.index_cast %scan3A_24 : i32 to index
      %get3A_28 = arith.constant 0 : index
      %get3A_29 = tpu.vector_load %arg15[%get3A_27, %get3A_28] {strides = array<i32>} : memref<640x16xf32, #tpu.memory_space<vmem>>, vector<16xf32>,
      %add3A_30 = arith.addf %get3A_26, %get3A_29 : vector<16xf32>
      %div3A = arith.divf %add3A_30, %gather3A : vector<16xf32>
      %get3A_31 = arith.index_cast %scan3A_24 : i32 to index
      %get3A_32 = arith.constant 0 : index
      %get3A_33 = tpu.vector_load %arg16[%get3A_31, %get3A_32] {strides = array<i32>} : memref<640x16xf32, #tpu.memory_space<vmem>>, vector<16xf32>,
      %add3A_34 = arith.addf %div3A, %get3A_33 : vector<16xf32>
      %max3A = arith.constant 0.000000e+00 : f32
      %max3A_35 = vector.broadcast %max3A : f32 to vector<16xf32>
      %max3A_36 = arith.maximumf %add3A_34, %max3A_35 : vector<16xf32>
      %swap3A = arith.index_cast %scan3A_24 : i32 to index
      %swap3A_37 = arith.constant 0 : index
      %swap3A_38 = tpu.vector_load %arg14[%swap3A, %swap3A_37] {strides = array<i32>} : memref<640x16xf32, #tpu.memory_space<vmem>>, vector<16xf32>,
      tpu.vector_store %arg14[%swap3A, %swap3A_37], %max3A_36 {strides = array<i32>} : memref<640x16xf32, #tpu.memory_space<vmem>>, vector<16xf32>,
    }
    %scan3A_16 = arith.constant 640 : i32
    "tpu.region"() ({
      %run_scoped3A_24 = tpu.sem_alloc : memref<!tpu.dma_semaphore, #tpu.memory_space<semaphore_mem>>
      %dma_start3A = arith.constant 0 : i32
      %dma_start3A_25 = tpu.memref_slice %arg9[%arg0, %mul3A_2, %dma_start3A] : memref<2x10240x16xf32, #tpu.memory_space<hbm>> -> memref<1x640x16xf32, #tpu.memory_space<hbm>>
      %dma_start3A_26 = tpu.memref_squeeze %dma_start3A_25 : memref<1x640x16xf32, #tpu.memory_space<hbm>> -> memref<640x16xf32, #tpu.memory_space<hbm>>
      %dma_start3A_27 = arith.constant 0 : i32
      %dma_start3A_28 = tpu.memref_slice %arg9[%arg0, %mul3A_2, %dma_start3A_27] : memref<2x10240x16xf32, #tpu.memory_space<hbm>> -> memref<1x640x16xf32, #tpu.memory_space<hbm>>
      %dma_start3A_29 = tpu.memref_squeeze %dma_start3A_28 : memref<1x640x16xf32, #tpu.memory_space<hbm>> -> memref<640x16xf32, #tpu.memory_space<hbm>>
      tpu.enqueue_dma source(%arg14 : memref<640x16xf32, #tpu.memory_space<vmem>>) target(%dma_start3A_29 : memref<640x16xf32, #tpu.memory_space<hbm>>) target_semaphore(%run_scoped3A_24 : memref<!tpu.dma_semaphore, #tpu.memory_space<semaphore_mem>>)
      %dma_wait3A = arith.constant 0 : i32
      %dma_wait3A_30 = tpu.memref_slice %arg9[%arg0, %mul3A_2, %dma_wait3A] : memref<2x10240x16xf32, #tpu.memory_space<hbm>> -> memref<1x640x16xf32, #tpu.memory_space<hbm>>
      %dma_wait3A_31 = tpu.memref_squeeze %dma_wait3A_30 : memref<1x640x16xf32, #tpu.memory_space<hbm>> -> memref<640x16xf32, #tpu.memory_space<hbm>>
      %dma_wait3A_32 = arith.constant 0 : i32
      %dma_wait3A_33 = tpu.memref_slice %arg9[%arg0, %mul3A_2, %dma_wait3A_32] : memref<2x10240x16xf32, #tpu.memory_space<hbm>> -> memref<1x640x16xf32, #tpu.memory_space<hbm>>
      %dma_wait3A_34 = tpu.memref_squeeze %dma_wait3A_33 : memref<1x640x16xf32, #tpu.memory_space<hbm>> -> memref<640x16xf32, #tpu.memory_space<hbm>>
      tpu.wait_dma2 semaphore(%run_scoped3A_24 : memref<!tpu.dma_semaphore, #tpu.memory_space<semaphore_mem>>) src(%arg14 : memref<640x16xf32, #tpu.memory_space<vmem>>) dst(%dma_wait3A_34 : memref<640x16xf32, #tpu.memory_space<hbm>>)
      tpu.yield
    }) : () -> ()
    %barrier3A = arith.constant 0 : index
    tpu.barrier barrier_id(%barrier3A)
    %scan3A_17 = arith.constant 0 : i32
    %scan3A_18 = arith.constant 0 : i32
    %scan3A_19 = arith.constant 79 : i32
    %scan3A_20 = arith.addi %scan3A_18, %scan3A_19 : i32
    %scan3A_21 = arith.constant 1 : i32
    scf.for %scan3A_24 = %scan3A_18 to %scan3A_20 step %scan3A_21  : i32 {
      %dma_start3A = arith.constant 0 : i32
      %dma_start3A_25 = tpu.memref_slice %arg11[%scan3A_24, %dma_start3A] : memref<79x128xi32, #tpu.memory_space<vmem>> -> memref<1x128xi32, #tpu.memory_space<vmem>>
      %dma_start3A_26 = tpu.memref_squeeze %dma_start3A_25 : memref<1x128xi32, #tpu.memory_space<vmem>> -> memref<128xi32, #tpu.memory_space<vmem>>
      %dma_start3A_27 = arith.constant 0 : i32
      %dma_start3A_28 = arith.constant 0 : i32
      %dma_start3A_29 = tpu.memref_slice %arg9[%arg0, %dma_start3A_27, %dma_start3A_28] : memref<2x10240x16xf32, #tpu.memory_space<hbm>> -> memref<1x10240x16xf32, #tpu.memory_space<hbm>>
      %dma_start3A_30 = tpu.memref_squeeze %dma_start3A_29 : memref<1x10240x16xf32, #tpu.memory_space<hbm>> -> memref<10240x16xf32, #tpu.memory_space<hbm>>
      %dma_start3A_31 = arith.constant 0 : i32
      %dma_start3A_32 = arith.constant 0 : i32
      %dma_start3A_33 = tpu.memref_slice %dma_start3A_30[%dma_start3A_31, %dma_start3A_32] : memref<10240x16xf32, #tpu.memory_space<hbm>> -> memref<10240x16xf32, #tpu.memory_space<hbm>>
      tpu.enqueue_indirect_dma source(%dma_start3A_33 : memref<10240x16xf32, #tpu.memory_space<hbm>>) target(%arg13 : memref<128x16xf32, #tpu.memory_space<vmem>>) offsets(%dma_start3A_26 : memref<128xi32, #tpu.memory_space<vmem>>) semaphore(%arg19 : memref<!tpu.dma_semaphore, #tpu.memory_space<semaphore_mem>>)
      %dma_wait3A = arith.constant 0 : i32
      %dma_wait3A_34 = tpu.memref_slice %arg11[%scan3A_24, %dma_wait3A] : memref<79x128xi32, #tpu.memory_space<vmem>> -> memref<1x128xi32, #tpu.memory_space<vmem>>
      %dma_wait3A_35 = tpu.memref_squeeze %dma_wait3A_34 : memref<1x128xi32, #tpu.memory_space<vmem>> -> memref<128xi32, #tpu.memory_space<vmem>>
      %dma_wait3A_36 = arith.constant 0 : i32
      %dma_wait3A_37 = arith.constant 0 : i32
      %dma_wait3A_38 = tpu.memref_slice %arg9[%arg0, %dma_wait3A_36, %dma_wait3A_37] : memref<2x10240x16xf32, #tpu.memory_space<hbm>> -> memref<1x10240x16xf32, #tpu.memory_space<hbm>>
      %dma_wait3A_39 = tpu.memref_squeeze %dma_wait3A_38 : memref<1x10240x16xf32, #tpu.memory_space<hbm>> -> memref<10240x16xf32, #tpu.memory_space<hbm>>
      %dma_wait3A_40 = arith.constant 0 : i32
      %dma_wait3A_41 = arith.constant 0 : i32
      %dma_wait3A_42 = tpu.memref_slice %dma_wait3A_39[%dma_wait3A_40, %dma_wait3A_41] : memref<10240x16xf32, #tpu.memory_space<hbm>> -> memref<10240x16xf32, #tpu.memory_space<hbm>>
      tpu.wait_indirect_dma semaphore(%arg19 : memref<!tpu.dma_semaphore, #tpu.memory_space<semaphore_mem>>) src(%dma_wait3A_42 : memref<10240x16xf32, #tpu.memory_space<hbm>>) dst(%arg13 : memref<128x16xf32, #tpu.memory_space<vmem>>)
      "tpu.region"() ({
        %run_scoped3A_43 = tpu.sem_alloc : memref<!tpu.dma_semaphore, #tpu.memory_space<semaphore_mem>>
        %dma_start3A_44 = arith.constant 0 : i32
        %dma_start3A_45 = tpu.memref_slice %arg12[%scan3A_24, %dma_start3A_44] : memref<79x128xi32, #tpu.memory_space<vmem>> -> memref<1x128xi32, #tpu.memory_space<vmem>>
        %dma_start3A_46 = tpu.memref_squeeze %dma_start3A_45 : memref<1x128xi32, #tpu.memory_space<vmem>> -> memref<128xi32, #tpu.memory_space<vmem>>
        %dma_start3A_47 = arith.constant 0 : i32
        %dma_start3A_48 = arith.constant 0 : i32
        %dma_start3A_49 = tpu.memref_slice %arg10[%dma_start3A_47, %dma_start3A_48] : memref<10240x16xf32, #tpu.memory_space<vmem_shared>> -> memref<10240x16xf32, #tpu.memory_space<vmem_shared>>
        tpu.enqueue_indirect_dma source(%arg13 : memref<128x16xf32, #tpu.memory_space<vmem>>) target(%dma_start3A_49 : memref<10240x16xf32, #tpu.memory_space<vmem_shared>>) offsets(%dma_start3A_46 : memref<128xi32, #tpu.memory_space<vmem>>) semaphore(%run_scoped3A_43 : memref<!tpu.dma_semaphore, #tpu.memory_space<semaphore_mem>>) {add = true}
        %dma_wait3A_50 = arith.constant 0 : i32
        %dma_wait3A_51 = tpu.memref_slice %arg12[%scan3A_24, %dma_wait3A_50] : memref<79x128xi32, #tpu.memory_space<vmem>> -> memref<1x128xi32, #tpu.memory_space<vmem>>
        %dma_wait3A_52 = tpu.memref_squeeze %dma_wait3A_51 : memref<1x128xi32, #tpu.memory_space<vmem>> -> memref<128xi32, #tpu.memory_space<vmem>>
        %dma_wait3A_53 = arith.constant 0 : i32
        %dma_wait3A_54 = arith.constant 0 : i32
        %dma_wait3A_55 = tpu.memref_slice %arg10[%dma_wait3A_53, %dma_wait3A_54] : memref<10240x16xf32, #tpu.memory_space<vmem_shared>> -> memref<10240x16xf32, #tpu.memory_space<vmem_shared>>
        tpu.wait_indirect_dma semaphore(%run_scoped3A_43 : memref<!tpu.dma_semaphore, #tpu.memory_space<semaphore_mem>>) src(%arg13 : memref<128x16xf32, #tpu.memory_space<vmem>>) dst(%dma_wait3A_55 : memref<10240x16xf32, #tpu.memory_space<vmem_shared>>)
        tpu.yield
      }) : () -> ()
    }
    %scan3A_22 = arith.constant 79 : i32
    %barrier3A_23 = arith.constant 0 : index
    tpu.barrier barrier_id(%barrier3A_23)
    "tpu.region"() ({
      %run_scoped3A_24 = tpu.sem_alloc : memref<!tpu.dma_semaphore, #tpu.memory_space<semaphore_mem>>
      %dma_start3A = arith.constant 0 : i32
      %dma_start3A_25 = tpu.memref_slice %arg8[%arg0, %mul3A_2, %dma_start3A] : memref<2x10240x16xf32, #tpu.memory_space<hbm>> -> memref<1x640x16xf32, #tpu.memory_space<hbm>>
      %dma_start3A_26 = tpu.memref_squeeze %dma_start3A_25 : memref<1x640x16xf32, #tpu.memory_space<hbm>> -> memref<640x16xf32, #tpu.memory_space<hbm>>
      %dma_start3A_27 = arith.constant 0 : i32
      %dma_start3A_28 = tpu.memref_slice %arg10[%mul3A_2, %dma_start3A_27] : memref<10240x16xf32, #tpu.memory_space<vmem_shared>> -> memref<640x16xf32, #tpu.memory_space<vmem_shared>>
      tpu.enqueue_dma source(%dma_start3A_28 : memref<640x16xf32, #tpu.memory_space<vmem_shared>>) target(%dma_start3A_26 : memref<640x16xf32, #tpu.memory_space<hbm>>) target_semaphore(%run_scoped3A_24 : memref<!tpu.dma_semaphore, #tpu.memory_space<semaphore_mem>>)
      %dma_wait3A = arith.constant 0 : i32
      %dma_wait3A_29 = tpu.memref_slice %arg8[%arg0, %mul3A_2, %dma_wait3A] : memref<2x10240x16xf32, #tpu.memory_space<hbm>> -> memref<1x640x16xf32, #tpu.memory_space<hbm>>
      %dma_wait3A_30 = tpu.memref_squeeze %dma_wait3A_29 : memref<1x640x16xf32, #tpu.memory_space<hbm>> -> memref<640x16xf32, #tpu.memory_space<hbm>>
      %dma_wait3A_31 = arith.constant 0 : i32
      %dma_wait3A_32 = tpu.memref_slice %arg10[%mul3A_2, %dma_wait3A_31] : memref<10240x16xf32, #tpu.memory_space<vmem_shared>> -> memref<640x16xf32, #tpu.memory_space<vmem_shared>>
      tpu.wait_dma2 semaphore(%run_scoped3A_24 : memref<!tpu.dma_semaphore, #tpu.memory_space<semaphore_mem>>) src(%dma_wait3A_32 : memref<640x16xf32, #tpu.memory_space<vmem_shared>>) dst(%dma_wait3A_30 : memref<640x16xf32, #tpu.memory_space<hbm>>)
      tpu.yield
    }) : () -> ()
    return
  }
}

#map = affine_map<(d0, d1) -> (0, 0)>
#map1 = affine_map<(d0, d1) -> (0, 0, 0)>
#map2 = affine_map<(d0, d1) -> (0)>
module attributes {stable_mosaic.version = 14 : i64} {
  func.func @seg1(%arg0: i32, %arg1: i32, %arg2: memref<10000x16xf32, #tpu.memory_space<hbm>>, %arg3: memref<32x79x128xi32, #tpu.memory_space<hbm>>, %arg4: memref<32x79x128xi32, #tpu.memory_space<hbm>>, %arg5: memref<640x16xf32, #tpu.memory_space<hbm>>, %arg6: memref<640xf32, #tpu.memory_space<hbm>>, %arg7: memref<2x10240x16xf32, #tpu.memory_space<hbm>>, %arg8: memref<2x10240xf32, #tpu.memory_space<hbm>>, %arg9: memref<10240x16xf32, #tpu.memory_space<vmem_shared>>, %arg10: memref<10240xf32, #tpu.memory_space<vmem_shared>>, %arg11: memref<79x128xi32, #tpu.memory_space<vmem>>, %arg12: memref<79x128xi32, #tpu.memory_space<vmem>>, %arg13: memref<128x16xf32, #tpu.memory_space<vmem>>, %arg14: memref<128xf32, #tpu.memory_space<vmem>>, %arg15: memref<!tpu.dma_semaphore, #tpu.memory_space<semaphore_mem>>, %arg16: memref<!tpu.dma_semaphore, #tpu.memory_space<semaphore_mem>>) attributes {dimension_semantics = [#tpu.dimension_semantics<core_parallel>, #tpu.dimension_semantics<subcore_parallel>], iteration_bounds = array<i64: 2, 16>, scalar_prefetch = 0 : i64, scratch_operands = 8 : i64, tpu.core_type = #tpu.core_type<sc_vector_subcore>, window_params = [{transform_indices = #map}, {transform_indices = #map1}, {transform_indices = #map1}, {transform_indices = #map}, {transform_indices = #map2}, {transform_indices = #map1}, {transform_indices = #map}]} {
    %mul3A = arith.constant 16 : i32
    %mul3A_0 = arith.muli %arg0, %mul3A : i32
    %add3A = arith.addi %mul3A_0, %arg1 : i32
    %mul3A_1 = arith.constant 640 : i32
    %mul3A_2 = arith.muli %arg1, %mul3A_1 : i32
    "tpu.region"() ({
      %run_scoped3A = tpu.sem_alloc : memref<!tpu.dma_semaphore, #tpu.memory_space<semaphore_mem>>
      %dma_start3A = arith.constant 0 : i32
      %dma_start3A_49 = tpu.memref_slice %arg9[%mul3A_2, %dma_start3A] : memref<10240x16xf32, #tpu.memory_space<vmem_shared>> -> memref<640x16xf32, #tpu.memory_space<vmem_shared>>
      tpu.enqueue_dma source(%arg5 : memref<640x16xf32, #tpu.memory_space<hbm>>) target(%dma_start3A_49 : memref<640x16xf32, #tpu.memory_space<vmem_shared>>) target_semaphore(%run_scoped3A : memref<!tpu.dma_semaphore, #tpu.memory_space<semaphore_mem>>)
      %dma_wait3A = arith.constant 0 : i32
      %dma_wait3A_50 = tpu.memref_slice %arg9[%mul3A_2, %dma_wait3A] : memref<10240x16xf32, #tpu.memory_space<vmem_shared>> -> memref<640x16xf32, #tpu.memory_space<vmem_shared>>
      tpu.wait_dma2 semaphore(%run_scoped3A : memref<!tpu.dma_semaphore, #tpu.memory_space<semaphore_mem>>) src(%arg5 : memref<640x16xf32, #tpu.memory_space<hbm>>) dst(%dma_wait3A_50 : memref<640x16xf32, #tpu.memory_space<vmem_shared>>)
      tpu.yield
    }) : () -> ()
    %mul3A_3 = arith.constant 640 : i32
    %mul3A_4 = arith.muli %arg1, %mul3A_3 : i32
    "tpu.region"() ({
      %run_scoped3A = tpu.sem_alloc : memref<!tpu.dma_semaphore, #tpu.memory_space<semaphore_mem>>
      %dma_start3A = tpu.memref_slice %arg10[%mul3A_4] : memref<10240xf32, #tpu.memory_space<vmem_shared>> -> memref<640xf32, #tpu.memory_space<vmem_shared>>
      tpu.enqueue_dma source(%arg6 : memref<640xf32, #tpu.memory_space<hbm>>) target(%dma_start3A : memref<640xf32, #tpu.memory_space<vmem_shared>>) target_semaphore(%run_scoped3A : memref<!tpu.dma_semaphore, #tpu.memory_space<semaphore_mem>>)
      %dma_wait3A = tpu.memref_slice %arg10[%mul3A_4] : memref<10240xf32, #tpu.memory_space<vmem_shared>> -> memref<640xf32, #tpu.memory_space<vmem_shared>>
      tpu.wait_dma2 semaphore(%run_scoped3A : memref<!tpu.dma_semaphore, #tpu.memory_space<semaphore_mem>>) src(%arg6 : memref<640xf32, #tpu.memory_space<hbm>>) dst(%dma_wait3A : memref<640xf32, #tpu.memory_space<vmem_shared>>)
      tpu.yield
    }) : () -> ()
    %broadcast_in_dim3A = arith.constant 1.000000e+00 : f32
    %broadcast_in_dim3A_5 = vector.broadcast %broadcast_in_dim3A : f32 to vector<16xf32>
    %swap3A = arith.constant 0 : index
    %swap3A_6 = tpu.vector_load %arg14[%swap3A] {strides = array<i32>} : memref<128xf32, #tpu.memory_space<vmem>>, vector<16xf32>,
    tpu.vector_store %arg14[%swap3A], %broadcast_in_dim3A_5 {strides = array<i32>} : memref<128xf32, #tpu.memory_space<vmem>>, vector<16xf32>,
    %broadcast_in_dim3A_7 = arith.constant 1.000000e+00 : f32
    %broadcast_in_dim3A_8 = vector.broadcast %broadcast_in_dim3A_7 : f32 to vector<16xf32>
    %swap3A_9 = arith.constant 16 : index
    %swap3A_10 = tpu.vector_load %arg14[%swap3A_9] {strides = array<i32>} : memref<128xf32, #tpu.memory_space<vmem>>, vector<16xf32>,
    tpu.vector_store %arg14[%swap3A_9], %broadcast_in_dim3A_8 {strides = array<i32>} : memref<128xf32, #tpu.memory_space<vmem>>, vector<16xf32>,
    %broadcast_in_dim3A_11 = arith.constant 1.000000e+00 : f32
    %broadcast_in_dim3A_12 = vector.broadcast %broadcast_in_dim3A_11 : f32 to vector<16xf32>
    %swap3A_13 = arith.constant 32 : index
    %swap3A_14 = tpu.vector_load %arg14[%swap3A_13] {strides = array<i32>} : memref<128xf32, #tpu.memory_space<vmem>>, vector<16xf32>,
    tpu.vector_store %arg14[%swap3A_13], %broadcast_in_dim3A_12 {strides = array<i32>} : memref<128xf32, #tpu.memory_space<vmem>>, vector<16xf32>,
    %broadcast_in_dim3A_15 = arith.constant 1.000000e+00 : f32
    %broadcast_in_dim3A_16 = vector.broadcast %broadcast_in_dim3A_15 : f32 to vector<16xf32>
    %swap3A_17 = arith.constant 48 : index
    %swap3A_18 = tpu.vector_load %arg14[%swap3A_17] {strides = array<i32>} : memref<128xf32, #tpu.memory_space<vmem>>, vector<16xf32>,
    tpu.vector_store %arg14[%swap3A_17], %broadcast_in_dim3A_16 {strides = array<i32>} : memref<128xf32, #tpu.memory_space<vmem>>, vector<16xf32>,
    %broadcast_in_dim3A_19 = arith.constant 1.000000e+00 : f32
    %broadcast_in_dim3A_20 = vector.broadcast %broadcast_in_dim3A_19 : f32 to vector<16xf32>
    %swap3A_21 = arith.constant 64 : index
    %swap3A_22 = tpu.vector_load %arg14[%swap3A_21] {strides = array<i32>} : memref<128xf32, #tpu.memory_space<vmem>>, vector<16xf32>,
    tpu.vector_store %arg14[%swap3A_21], %broadcast_in_dim3A_20 {strides = array<i32>} : memref<128xf32, #tpu.memory_space<vmem>>, vector<16xf32>,
    %broadcast_in_dim3A_23 = arith.constant 1.000000e+00 : f32
    %broadcast_in_dim3A_24 = vector.broadcast %broadcast_in_dim3A_23 : f32 to vector<16xf32>
    %swap3A_25 = arith.constant 80 : index
    %swap3A_26 = tpu.vector_load %arg14[%swap3A_25] {strides = array<i32>} : memref<128xf32, #tpu.memory_space<vmem>>, vector<16xf32>,
    tpu.vector_store %arg14[%swap3A_25], %broadcast_in_dim3A_24 {strides = array<i32>} : memref<128xf32, #tpu.memory_space<vmem>>, vector<16xf32>,
    %broadcast_in_dim3A_27 = arith.constant 1.000000e+00 : f32
    %broadcast_in_dim3A_28 = vector.broadcast %broadcast_in_dim3A_27 : f32 to vector<16xf32>
    %swap3A_29 = arith.constant 96 : index
    %swap3A_30 = tpu.vector_load %arg14[%swap3A_29] {strides = array<i32>} : memref<128xf32, #tpu.memory_space<vmem>>, vector<16xf32>,
    tpu.vector_store %arg14[%swap3A_29], %broadcast_in_dim3A_28 {strides = array<i32>} : memref<128xf32, #tpu.memory_space<vmem>>, vector<16xf32>,
    %broadcast_in_dim3A_31 = arith.constant 1.000000e+00 : f32
    %broadcast_in_dim3A_32 = vector.broadcast %broadcast_in_dim3A_31 : f32 to vector<16xf32>
    %swap3A_33 = arith.constant 112 : index
    %swap3A_34 = tpu.vector_load %arg14[%swap3A_33] {strides = array<i32>} : memref<128xf32, #tpu.memory_space<vmem>>, vector<16xf32>,
    tpu.vector_store %arg14[%swap3A_33], %broadcast_in_dim3A_32 {strides = array<i32>} : memref<128xf32, #tpu.memory_space<vmem>>, vector<16xf32>,
    "tpu.region"() ({
      %run_scoped3A = tpu.sem_alloc : memref<!tpu.dma_semaphore, #tpu.memory_space<semaphore_mem>>
      %dma_start3A = arith.constant 0 : i32
      %dma_start3A_49 = arith.constant 0 : i32
      %dma_start3A_50 = tpu.memref_slice %arg3[%add3A, %dma_start3A, %dma_start3A_49] : memref<32x79x128xi32, #tpu.memory_space<hbm>> -> memref<1x79x128xi32, #tpu.memory_space<hbm>>
      %dma_start3A_51 = tpu.memref_squeeze %dma_start3A_50 : memref<1x79x128xi32, #tpu.memory_space<hbm>> -> memref<79x128xi32, #tpu.memory_space<hbm>>
      %dma_start3A_52 = arith.constant 0 : i32
      %dma_start3A_53 = arith.constant 0 : i32
      %dma_start3A_54 = tpu.memref_slice %arg3[%add3A, %dma_start3A_52, %dma_start3A_53] : memref<32x79x128xi32, #tpu.memory_space<hbm>> -> memref<1x79x128xi32, #tpu.memory_space<hbm>>
      %dma_start3A_55 = tpu.memref_squeeze %dma_start3A_54 : memref<1x79x128xi32, #tpu.memory_space<hbm>> -> memref<79x128xi32, #tpu.memory_space<hbm>>
      tpu.enqueue_dma source(%dma_start3A_55 : memref<79x128xi32, #tpu.memory_space<hbm>>) target(%arg11 : memref<79x128xi32, #tpu.memory_space<vmem>>) target_semaphore(%run_scoped3A : memref<!tpu.dma_semaphore, #tpu.memory_space<semaphore_mem>>)
      %dma_wait3A = arith.constant 0 : i32
      %dma_wait3A_56 = arith.constant 0 : i32
      %dma_wait3A_57 = tpu.memref_slice %arg3[%add3A, %dma_wait3A, %dma_wait3A_56] : memref<32x79x128xi32, #tpu.memory_space<hbm>> -> memref<1x79x128xi32, #tpu.memory_space<hbm>>
      %dma_wait3A_58 = tpu.memref_squeeze %dma_wait3A_57 : memref<1x79x128xi32, #tpu.memory_space<hbm>> -> memref<79x128xi32, #tpu.memory_space<hbm>>
      %dma_wait3A_59 = arith.constant 0 : i32
      %dma_wait3A_60 = arith.constant 0 : i32
      %dma_wait3A_61 = tpu.memref_slice %arg3[%add3A, %dma_wait3A_59, %dma_wait3A_60] : memref<32x79x128xi32, #tpu.memory_space<hbm>> -> memref<1x79x128xi32, #tpu.memory_space<hbm>>
      %dma_wait3A_62 = tpu.memref_squeeze %dma_wait3A_61 : memref<1x79x128xi32, #tpu.memory_space<hbm>> -> memref<79x128xi32, #tpu.memory_space<hbm>>
      tpu.wait_dma2 semaphore(%run_scoped3A : memref<!tpu.dma_semaphore, #tpu.memory_space<semaphore_mem>>) src(%dma_wait3A_62 : memref<79x128xi32, #tpu.memory_space<hbm>>) dst(%arg11 : memref<79x128xi32, #tpu.memory_space<vmem>>)
      tpu.yield
    }) : () -> ()
    "tpu.region"() ({
      %run_scoped3A = tpu.sem_alloc : memref<!tpu.dma_semaphore, #tpu.memory_space<semaphore_mem>>
      %dma_start3A = arith.constant 0 : i32
      %dma_start3A_49 = arith.constant 0 : i32
      %dma_start3A_50 = tpu.memref_slice %arg4[%add3A, %dma_start3A, %dma_start3A_49] : memref<32x79x128xi32, #tpu.memory_space<hbm>> -> memref<1x79x128xi32, #tpu.memory_space<hbm>>
      %dma_start3A_51 = tpu.memref_squeeze %dma_start3A_50 : memref<1x79x128xi32, #tpu.memory_space<hbm>> -> memref<79x128xi32, #tpu.memory_space<hbm>>
      %dma_start3A_52 = arith.constant 0 : i32
      %dma_start3A_53 = arith.constant 0 : i32
      %dma_start3A_54 = tpu.memref_slice %arg4[%add3A, %dma_start3A_52, %dma_start3A_53] : memref<32x79x128xi32, #tpu.memory_space<hbm>> -> memref<1x79x128xi32, #tpu.memory_space<hbm>>
      %dma_start3A_55 = tpu.memref_squeeze %dma_start3A_54 : memref<1x79x128xi32, #tpu.memory_space<hbm>> -> memref<79x128xi32, #tpu.memory_space<hbm>>
      tpu.enqueue_dma source(%dma_start3A_55 : memref<79x128xi32, #tpu.memory_space<hbm>>) target(%arg12 : memref<79x128xi32, #tpu.memory_space<vmem>>) target_semaphore(%run_scoped3A : memref<!tpu.dma_semaphore, #tpu.memory_space<semaphore_mem>>)
      %dma_wait3A = arith.constant 0 : i32
      %dma_wait3A_56 = arith.constant 0 : i32
      %dma_wait3A_57 = tpu.memref_slice %arg4[%add3A, %dma_wait3A, %dma_wait3A_56] : memref<32x79x128xi32, #tpu.memory_space<hbm>> -> memref<1x79x128xi32, #tpu.memory_space<hbm>>
      %dma_wait3A_58 = tpu.memref_squeeze %dma_wait3A_57 : memref<1x79x128xi32, #tpu.memory_space<hbm>> -> memref<79x128xi32, #tpu.memory_space<hbm>>
      %dma_wait3A_59 = arith.constant 0 : i32
      %dma_wait3A_60 = arith.constant 0 : i32
      %dma_wait3A_61 = tpu.memref_slice %arg4[%add3A, %dma_wait3A_59, %dma_wait3A_60] : memref<32x79x128xi32, #tpu.memory_space<hbm>> -> memref<1x79x128xi32, #tpu.memory_space<hbm>>
      %dma_wait3A_62 = tpu.memref_squeeze %dma_wait3A_61 : memref<1x79x128xi32, #tpu.memory_space<hbm>> -> memref<79x128xi32, #tpu.memory_space<hbm>>
      tpu.wait_dma2 semaphore(%run_scoped3A : memref<!tpu.dma_semaphore, #tpu.memory_space<semaphore_mem>>) src(%dma_wait3A_62 : memref<79x128xi32, #tpu.memory_space<hbm>>) dst(%arg12 : memref<79x128xi32, #tpu.memory_space<vmem>>)
      tpu.yield
    }) : () -> ()
    %barrier3A = arith.constant 0 : index
    tpu.barrier barrier_id(%barrier3A)
    %scan3A = arith.constant 0 : i32
    %scan3A_35 = arith.constant 0 : i32
    %scan3A_36 = arith.constant 79 : i32
    %scan3A_37 = arith.addi %scan3A_35, %scan3A_36 : i32
    %scan3A_38 = arith.constant 1 : i32
    scf.for %scan3A_49 = %scan3A_35 to %scan3A_37 step %scan3A_38  : i32 {
      %dma_start3A = arith.constant 0 : i32
      %dma_start3A_50 = tpu.memref_slice %arg11[%scan3A_49, %dma_start3A] : memref<79x128xi32, #tpu.memory_space<vmem>> -> memref<1x128xi32, #tpu.memory_space<vmem>>
      %dma_start3A_51 = tpu.memref_squeeze %dma_start3A_50 : memref<1x128xi32, #tpu.memory_space<vmem>> -> memref<128xi32, #tpu.memory_space<vmem>>
      %dma_start3A_52 = arith.constant 0 : i32
      %dma_start3A_53 = arith.constant 0 : i32
      %dma_start3A_54 = tpu.memref_slice %arg2[%dma_start3A_52, %dma_start3A_53] : memref<10000x16xf32, #tpu.memory_space<hbm>> -> memref<10000x16xf32, #tpu.memory_space<hbm>>
      tpu.enqueue_indirect_dma source(%dma_start3A_54 : memref<10000x16xf32, #tpu.memory_space<hbm>>) target(%arg13 : memref<128x16xf32, #tpu.memory_space<vmem>>) offsets(%dma_start3A_51 : memref<128xi32, #tpu.memory_space<vmem>>) semaphore(%arg15 : memref<!tpu.dma_semaphore, #tpu.memory_space<semaphore_mem>>)
      %dma_wait3A = arith.constant 0 : i32
      %dma_wait3A_55 = tpu.memref_slice %arg11[%scan3A_49, %dma_wait3A] : memref<79x128xi32, #tpu.memory_space<vmem>> -> memref<1x128xi32, #tpu.memory_space<vmem>>
      %dma_wait3A_56 = tpu.memref_squeeze %dma_wait3A_55 : memref<1x128xi32, #tpu.memory_space<vmem>> -> memref<128xi32, #tpu.memory_space<vmem>>
      %dma_wait3A_57 = arith.constant 0 : i32
      %dma_wait3A_58 = arith.constant 0 : i32
      %dma_wait3A_59 = tpu.memref_slice %arg2[%dma_wait3A_57, %dma_wait3A_58] : memref<10000x16xf32, #tpu.memory_space<hbm>> -> memref<10000x16xf32, #tpu.memory_space<hbm>>
      tpu.wait_indirect_dma semaphore(%arg15 : memref<!tpu.dma_semaphore, #tpu.memory_space<semaphore_mem>>) src(%dma_wait3A_59 : memref<10000x16xf32, #tpu.memory_space<hbm>>) dst(%arg13 : memref<128x16xf32, #tpu.memory_space<vmem>>)
      "tpu.region"() ({
        %run_scoped3A = tpu.sem_alloc : memref<!tpu.dma_semaphore, #tpu.memory_space<semaphore_mem>>
        %dma_start3A_60 = arith.constant 0 : i32
        %dma_start3A_61 = tpu.memref_slice %arg12[%scan3A_49, %dma_start3A_60] : memref<79x128xi32, #tpu.memory_space<vmem>> -> memref<1x128xi32, #tpu.memory_space<vmem>>
        %dma_start3A_62 = tpu.memref_squeeze %dma_start3A_61 : memref<1x128xi32, #tpu.memory_space<vmem>> -> memref<128xi32, #tpu.memory_space<vmem>>
        %dma_start3A_63 = arith.constant 0 : i32
        %dma_start3A_64 = arith.constant 0 : i32
        %dma_start3A_65 = tpu.memref_slice %arg9[%dma_start3A_63, %dma_start3A_64] : memref<10240x16xf32, #tpu.memory_space<vmem_shared>> -> memref<10240x16xf32, #tpu.memory_space<vmem_shared>>
        tpu.enqueue_indirect_dma source(%arg13 : memref<128x16xf32, #tpu.memory_space<vmem>>) target(%dma_start3A_65 : memref<10240x16xf32, #tpu.memory_space<vmem_shared>>) offsets(%dma_start3A_62 : memref<128xi32, #tpu.memory_space<vmem>>) semaphore(%run_scoped3A : memref<!tpu.dma_semaphore, #tpu.memory_space<semaphore_mem>>) {add = true}
        %dma_wait3A_66 = arith.constant 0 : i32
        %dma_wait3A_67 = tpu.memref_slice %arg12[%scan3A_49, %dma_wait3A_66] : memref<79x128xi32, #tpu.memory_space<vmem>> -> memref<1x128xi32, #tpu.memory_space<vmem>>
        %dma_wait3A_68 = tpu.memref_squeeze %dma_wait3A_67 : memref<1x128xi32, #tpu.memory_space<vmem>> -> memref<128xi32, #tpu.memory_space<vmem>>
        %dma_wait3A_69 = arith.constant 0 : i32
        %dma_wait3A_70 = arith.constant 0 : i32
        %dma_wait3A_71 = tpu.memref_slice %arg9[%dma_wait3A_69, %dma_wait3A_70] : memref<10240x16xf32, #tpu.memory_space<vmem_shared>> -> memref<10240x16xf32, #tpu.memory_space<vmem_shared>>
        tpu.wait_indirect_dma semaphore(%run_scoped3A : memref<!tpu.dma_semaphore, #tpu.memory_space<semaphore_mem>>) src(%arg13 : memref<128x16xf32, #tpu.memory_space<vmem>>) dst(%dma_wait3A_71 : memref<10240x16xf32, #tpu.memory_space<vmem_shared>>)
        tpu.yield
      }) : () -> ()
      "tpu.region"() ({
        %run_scoped3A = tpu.sem_alloc : memref<!tpu.dma_semaphore, #tpu.memory_space<semaphore_mem>>
        %dma_start3A_60 = arith.constant 0 : i32
        %dma_start3A_61 = tpu.memref_slice %arg12[%scan3A_49, %dma_start3A_60] : memref<79x128xi32, #tpu.memory_space<vmem>> -> memref<1x128xi32, #tpu.memory_space<vmem>>
        %dma_start3A_62 = tpu.memref_squeeze %dma_start3A_61 : memref<1x128xi32, #tpu.memory_space<vmem>> -> memref<128xi32, #tpu.memory_space<vmem>>
        %dma_start3A_63 = arith.constant 0 : i32
        %dma_start3A_64 = tpu.memref_slice %arg10[%dma_start3A_63] : memref<10240xf32, #tpu.memory_space<vmem_shared>> -> memref<10240xf32, #tpu.memory_space<vmem_shared>>
        tpu.enqueue_indirect_dma source(%arg14 : memref<128xf32, #tpu.memory_space<vmem>>) target(%dma_start3A_64 : memref<10240xf32, #tpu.memory_space<vmem_shared>>) offsets(%dma_start3A_62 : memref<128xi32, #tpu.memory_space<vmem>>) semaphore(%run_scoped3A : memref<!tpu.dma_semaphore, #tpu.memory_space<semaphore_mem>>) {add = true}
        %dma_wait3A_65 = arith.constant 0 : i32
        %dma_wait3A_66 = tpu.memref_slice %arg12[%scan3A_49, %dma_wait3A_65] : memref<79x128xi32, #tpu.memory_space<vmem>> -> memref<1x128xi32, #tpu.memory_space<vmem>>
        %dma_wait3A_67 = tpu.memref_squeeze %dma_wait3A_66 : memref<1x128xi32, #tpu.memory_space<vmem>> -> memref<128xi32, #tpu.memory_space<vmem>>
        %dma_wait3A_68 = arith.constant 0 : i32
        %dma_wait3A_69 = tpu.memref_slice %arg10[%dma_wait3A_68] : memref<10240xf32, #tpu.memory_space<vmem_shared>> -> memref<10240xf32, #tpu.memory_space<vmem_shared>>
        tpu.wait_indirect_dma semaphore(%run_scoped3A : memref<!tpu.dma_semaphore, #tpu.memory_space<semaphore_mem>>) src(%arg14 : memref<128xf32, #tpu.memory_space<vmem>>) dst(%dma_wait3A_69 : memref<10240xf32, #tpu.memory_space<vmem_shared>>)
        tpu.yield
      }) : () -> ()
    }
    %scan3A_39 = arith.constant 79 : i32
    %barrier3A_40 = arith.constant 0 : index
    tpu.barrier barrier_id(%barrier3A_40)
    %mul3A_41 = arith.constant 640 : i32
    %mul3A_42 = arith.muli %arg1, %mul3A_41 : i32
    %mul3A_43 = arith.constant 640 : i32
    %mul3A_44 = arith.muli %arg1, %mul3A_43 : i32
    "tpu.region"() ({
      %run_scoped3A = tpu.sem_alloc : memref<!tpu.dma_semaphore, #tpu.memory_space<semaphore_mem>>
      %dma_start3A = arith.constant 0 : i32
      %dma_start3A_49 = tpu.memref_slice %arg7[%arg0, %mul3A_44, %dma_start3A] : memref<2x10240x16xf32, #tpu.memory_space<hbm>> -> memref<1x640x16xf32, #tpu.memory_space<hbm>>
      %dma_start3A_50 = tpu.memref_squeeze %dma_start3A_49 : memref<1x640x16xf32, #tpu.memory_space<hbm>> -> memref<640x16xf32, #tpu.memory_space<hbm>>
      %dma_start3A_51 = arith.constant 0 : i32
      %dma_start3A_52 = tpu.memref_slice %arg9[%mul3A_42, %dma_start3A_51] : memref<10240x16xf32, #tpu.memory_space<vmem_shared>> -> memref<640x16xf32, #tpu.memory_space<vmem_shared>>
      tpu.enqueue_dma source(%dma_start3A_52 : memref<640x16xf32, #tpu.memory_space<vmem_shared>>) target(%dma_start3A_50 : memref<640x16xf32, #tpu.memory_space<hbm>>) target_semaphore(%run_scoped3A : memref<!tpu.dma_semaphore, #tpu.memory_space<semaphore_mem>>)
      %dma_wait3A = arith.constant 0 : i32
      %dma_wait3A_53 = tpu.memref_slice %arg7[%arg0, %mul3A_44, %dma_wait3A] : memref<2x10240x16xf32, #tpu.memory_space<hbm>> -> memref<1x640x16xf32, #tpu.memory_space<hbm>>
      %dma_wait3A_54 = tpu.memref_squeeze %dma_wait3A_53 : memref<1x640x16xf32, #tpu.memory_space<hbm>> -> memref<640x16xf32, #tpu.memory_space<hbm>>
      %dma_wait3A_55 = arith.constant 0 : i32
      %dma_wait3A_56 = tpu.memref_slice %arg9[%mul3A_42, %dma_wait3A_55] : memref<10240x16xf32, #tpu.memory_space<vmem_shared>> -> memref<640x16xf32, #tpu.memory_space<vmem_shared>>
      tpu.wait_dma2 semaphore(%run_scoped3A : memref<!tpu.dma_semaphore, #tpu.memory_space<semaphore_mem>>) src(%dma_wait3A_56 : memref<640x16xf32, #tpu.memory_space<vmem_shared>>) dst(%dma_wait3A_54 : memref<640x16xf32, #tpu.memory_space<hbm>>)
      tpu.yield
    }) : () -> ()
    %mul3A_45 = arith.constant 640 : i32
    %mul3A_46 = arith.muli %arg1, %mul3A_45 : i32
    %mul3A_47 = arith.constant 640 : i32
    %mul3A_48 = arith.muli %arg1, %mul3A_47 : i32
    "tpu.region"() ({
      %run_scoped3A = tpu.sem_alloc : memref<!tpu.dma_semaphore, #tpu.memory_space<semaphore_mem>>
      %dma_start3A = tpu.memref_slice %arg8[%arg0, %mul3A_48] : memref<2x10240xf32, #tpu.memory_space<hbm>> -> memref<1x640xf32, #tpu.memory_space<hbm>>
      %dma_start3A_49 = tpu.memref_squeeze %dma_start3A : memref<1x640xf32, #tpu.memory_space<hbm>> -> memref<640xf32, #tpu.memory_space<hbm>>
      %dma_start3A_50 = tpu.memref_slice %arg10[%mul3A_46] : memref<10240xf32, #tpu.memory_space<vmem_shared>> -> memref<640xf32, #tpu.memory_space<vmem_shared>>
      tpu.enqueue_dma source(%dma_start3A_50 : memref<640xf32, #tpu.memory_space<vmem_shared>>) target(%dma_start3A_49 : memref<640xf32, #tpu.memory_space<hbm>>) target_semaphore(%run_scoped3A : memref<!tpu.dma_semaphore, #tpu.memory_space<semaphore_mem>>)
      %dma_wait3A = tpu.memref_slice %arg8[%arg0, %mul3A_48] : memref<2x10240xf32, #tpu.memory_space<hbm>> -> memref<1x640xf32, #tpu.memory_space<hbm>>
      %dma_wait3A_51 = tpu.memref_squeeze %dma_wait3A : memref<1x640xf32, #tpu.memory_space<hbm>> -> memref<640xf32, #tpu.memory_space<hbm>>
      %dma_wait3A_52 = tpu.memref_slice %arg10[%mul3A_46] : memref<10240xf32, #tpu.memory_space<vmem_shared>> -> memref<640xf32, #tpu.memory_space<vmem_shared>>
      tpu.wait_dma2 semaphore(%run_scoped3A : memref<!tpu.dma_semaphore, #tpu.memory_space<semaphore_mem>>) src(%dma_wait3A_52 : memref<640xf32, #tpu.memory_space<vmem_shared>>) dst(%dma_wait3A_51 : memref<640xf32, #tpu.memory_space<hbm>>)
      tpu.yield
    }) : () -> ()
    return
  }
}

module attributes {stable_mosaic.version = 14 : i64} {
  func.func @_lin_body(%arg0: memref<10000x128xf32, #tpu.memory_space<vmem>>, %arg1: memref<32x128xf32, #tpu.memory_space<vmem>>, %arg2: memref<1x32xf32, #tpu.memory_space<vmem>>, %arg3: memref<10000x32xf32, #tpu.memory_space<vmem>>) attributes {dimension_semantics = [], scalar_prefetch = 0 : i64, scratch_operands = 0 : i64, tpu.core_type = #tpu.core_type<tc>} {
    %get3A = arith.constant 0 : index
    %get3A_0 = arith.constant 0 : index
    %get3A_1 = vector.load %arg0[%get3A, %get3A_0] : memref<10000x128xf32, #tpu.memory_space<vmem>>, vector<10000x128xf32>
    %get3A_2 = arith.constant 0 : index
    %get3A_3 = arith.constant 0 : index
    %get3A_4 = vector.load %arg1[%get3A_2, %get3A_3] : memref<32x128xf32, #tpu.memory_space<vmem>>, vector<32x128xf32>
    %dot_general3A = arith.constant dense<0.000000e+00> : vector<10000x32xf32>
    %dot_general3A_5 = tpu.matmul %get3A_1, %get3A_4, %dot_general3A {dimension_numbers = #tpu.dot_dimension_numbers<[1], [1], [0], [0], [0, 0, 1, 0], [], []>, transpose_lhs_hint = false} : vector<10000x128xf32>, vector<32x128xf32>, vector<10000x32xf32> -> vector<10000x32xf32>
    %get3A_6 = arith.constant 0 : index
    %get3A_7 = arith.constant 0 : index
    %get3A_8 = vector.load %arg2[%get3A_6, %get3A_7] : memref<1x32xf32, #tpu.memory_space<vmem>>, vector<1x32xf32>
    %add3A = vector.broadcast %get3A_8 : vector<1x32xf32> to vector<10000x32xf32>
    %add3A_9 = arith.addf %dot_general3A_5, %add3A : vector<10000x32xf32>
    %swap3A = arith.constant 0 : index
    %swap3A_10 = arith.constant 0 : index
    %swap3A_11 = vector.load %arg3[%swap3A, %swap3A_10] : memref<10000x32xf32, #tpu.memory_space<vmem>>, vector<10000x32xf32>
    tpu.vector_store %arg3[%swap3A, %swap3A_10], %add3A_9 {strides = array<i32>} : memref<10000x32xf32, #tpu.memory_space<vmem>>, vector<10000x32xf32>,
    return
  }
}

module attributes {stable_mosaic.version = 14 : i64} {
  func.func @_out_body(%arg0: memref<2x10240x16xf32, #tpu.memory_space<vmem>>, %arg1: memref<2x10240xf32, #tpu.memory_space<vmem>>, %arg2: memref<2x10240x16xf32, #tpu.memory_space<vmem>>, %arg3: memref<16x32xf32, #tpu.memory_space<vmem>>, %arg4: memref<1x16xf32, #tpu.memory_space<vmem>>, %arg5: memref<10000x16xf32, #tpu.memory_space<vmem>>) attributes {dimension_semantics = [], scalar_prefetch = 0 : i64, scratch_operands = 0 : i64, tpu.core_type = #tpu.core_type<tc>} {
    %get3A = arith.constant 0 : index
    %get3A_0 = arith.constant 0 : index
    %get3A_1 = vector.load %arg1[%get3A, %get3A_0] : memref<2x10240xf32, #tpu.memory_space<vmem>>, vector<1x10000xf32>
    %get3A_2 = vector.shape_cast %get3A_1 : vector<1x10000xf32> to vector<10000xf32>
    %get3A_3 = arith.constant 1 : index
    %get3A_4 = arith.constant 0 : index
    %get3A_5 = vector.load %arg1[%get3A_3, %get3A_4] : memref<2x10240xf32, #tpu.memory_space<vmem>>, vector<1x10000xf32>
    %get3A_6 = vector.shape_cast %get3A_5 : vector<1x10000xf32> to vector<10000xf32>
    %add3A = arith.addf %get3A_2, %get3A_6 : vector<10000xf32>
    %max3A = arith.constant 1.000000e+00 : f32
    %max3A_7 = vector.broadcast %max3A : f32 to vector<10000xf32>
    %max3A_8 = arith.maximumf %add3A, %max3A_7 : vector<10000xf32>
    %broadcast_in_dim3A = vector.shape_cast %max3A_8 : vector<10000xf32> to vector<10000x1xf32>
    %get3A_9 = arith.constant 0 : index
    %get3A_10 = arith.constant 0 : index
    %get3A_11 = arith.constant 0 : index
    %get3A_12 = vector.load %arg0[%get3A_9, %get3A_10, %get3A_11] : memref<2x10240x16xf32, #tpu.memory_space<vmem>>, vector<1x10000x16xf32>
    %get3A_13 = vector.shape_cast %get3A_12 : vector<1x10000x16xf32> to vector<10000x16xf32>
    %get3A_14 = arith.constant 1 : index
    %get3A_15 = arith.constant 0 : index
    %get3A_16 = arith.constant 0 : index
    %get3A_17 = vector.load %arg0[%get3A_14, %get3A_15, %get3A_16] : memref<2x10240x16xf32, #tpu.memory_space<vmem>>, vector<1x10000x16xf32>
    %get3A_18 = vector.shape_cast %get3A_17 : vector<1x10000x16xf32> to vector<10000x16xf32>
    %add3A_19 = arith.addf %get3A_13, %get3A_18 : vector<10000x16xf32>
    %div3A = vector.broadcast %broadcast_in_dim3A : vector<10000x1xf32> to vector<10000x16xf32>
    %div3A_20 = arith.divf %add3A_19, %div3A : vector<10000x16xf32>
    %get3A_21 = arith.constant 0 : index
    %get3A_22 = arith.constant 0 : index
    %get3A_23 = arith.constant 0 : index
    %get3A_24 = vector.load %arg2[%get3A_21, %get3A_22, %get3A_23] : memref<2x10240x16xf32, #tpu.memory_space<vmem>>, vector<1x10000x16xf32>
    %get3A_25 = vector.shape_cast %get3A_24 : vector<1x10000x16xf32> to vector<10000x16xf32>
    %concatenate3A = tpu.concatenate %div3A_20, %get3A_25 in 1 : vector<10000x16xf32>, vector<10000x16xf32> -> vector<10000x32xf32>
    %get3A_26 = arith.constant 0 : index
    %get3A_27 = arith.constant 0 : index
    %get3A_28 = vector.load %arg3[%get3A_26, %get3A_27] : memref<16x32xf32, #tpu.memory_space<vmem>>, vector<16x32xf32>
    %dot_general3A = arith.constant dense<0.000000e+00> : vector<10000x16xf32>
    %dot_general3A_29 = tpu.matmul %concatenate3A, %get3A_28, %dot_general3A {dimension_numbers = #tpu.dot_dimension_numbers<[1], [1], [0], [0], [0, 0, 1, 0], [], []>, transpose_lhs_hint = false} : vector<10000x32xf32>, vector<16x32xf32>, vector<10000x16xf32> -> vector<10000x16xf32>
    %get3A_30 = arith.constant 0 : index
    %get3A_31 = arith.constant 0 : index
    %get3A_32 = vector.load %arg4[%get3A_30, %get3A_31] : memref<1x16xf32, #tpu.memory_space<vmem>>, vector<1x16xf32>
    %add3A_33 = vector.broadcast %get3A_32 : vector<1x16xf32> to vector<10000x16xf32>
    %add3A_34 = arith.addf %dot_general3A_29, %add3A_33 : vector<10000x16xf32>
    %reduce_max3A = arith.constant dense<0xFF800000> : vector<10000xf32>
    %reduce_max3A_35 = vector.multi_reduction <maximumf>, %add3A_34, %reduce_max3A [1] : vector<10000x16xf32> to vector<10000xf32>
    %broadcast_in_dim3A_36 = vector.shape_cast %reduce_max3A_35 : vector<10000xf32> to vector<10000x1xf32>
    %sub3A = vector.broadcast %broadcast_in_dim3A_36 : vector<10000x1xf32> to vector<10000x16xf32>
    %sub3A_37 = arith.subf %add3A_34, %sub3A : vector<10000x16xf32>
    %exp3A = math.exp %sub3A_37 : vector<10000x16xf32>
    %reduce_sum3A = arith.constant dense<0.000000e+00> : vector<10000xf32>
    %reduce_sum3A_38 = vector.multi_reduction <add>, %exp3A, %reduce_sum3A [1] : vector<10000x16xf32> to vector<10000xf32>
    %broadcast_in_dim3A_39 = vector.shape_cast %reduce_sum3A_38 : vector<10000xf32> to vector<10000x1xf32>
    %log3A = math.log %broadcast_in_dim3A_39 : vector<10000x1xf32>
    %sub3A_40 = vector.broadcast %log3A : vector<10000x1xf32> to vector<10000x16xf32>
    %sub3A_41 = arith.subf %sub3A_37, %sub3A_40 : vector<10000x16xf32>
    %swap3A = arith.constant 0 : index
    %swap3A_42 = arith.constant 0 : index
    %swap3A_43 = vector.load %arg5[%swap3A, %swap3A_42] : memref<10000x16xf32, #tpu.memory_space<vmem>>, vector<10000x16xf32>
    tpu.vector_store %arg5[%swap3A, %swap3A_42], %sub3A_41 {strides = array<i32>} : memref<10000x16xf32, #tpu.memory_space<vmem>>, vector<10000x16xf32>,
    return
  }
}

</mosaic_0001>

<sc_bundles>
// kernel: kernel.6.cloned.1.call-start
scs
__scs_entry_jumppad:
0x0: {  	(pc) =	sbr.rel $0x88, $3  }
0x1: {  	(tag) =	ssettag $0x0;
	lr =	simm.s32 $0x1  }
0x2: {  	[smem:$0x3F99] =	sst lr;
	_ =	strace $0xD0000000  }
0x3: {  	_ = 	snop  }
0x4: {  	_ = 	snop  }
0x5: {  	_ = 	snop  }
0x6: {  	_ = 	snop  }
0x7: {  	_ = 	snop  }
__scs_overlays_trampoline_lowered:
0x8: {  	[smem:$0x3FA8] =	sst s0  }
0x9: {  	[smem:$0x3FA9] =	sst s1  }
0xa: {  	[smem:$0x3FAA] =	sst s2  }
0xb: {  	[smem:$0x3FAB] =	sst s3  }
0xc: {  	[smem:$0x3FAC] =	sst s4  }
0xd: {  	[smem:$0x3FAD] =	sst s5  }
0xe: {  	[smem:$0x3FAE] =	sst s6  }
0xf: {  	[smem:$0x3FAF] =	sst s7  }
0x10: {  	[smem:$0x3FB0] =	sst s8  }
0x11: {  	[smem:$0x3FB1] =	sst s9;
	s0 =	simm.s32 @!p0 $0x0  }
0x12: {  	s1 =	sld [smem:$0x3F97];
	s0 =	simm.s32 @p0 $0x1  }
0x13: {  	[smem:$0x3FB2] =	sst s0;
	s0 =	simm.s32 @!p1 $0x0  }
0x14: {  	s2 =	sld [smem:$0x3F96];
	s0 =	simm.s32 @p1 $0x1  }
0x15: {  	[smem:$0x3FB3] =	sst s0;
	s0 =	simm.s32 @!p2 $0x0  }
0x16: {  	s3 =	sld [smem:$0x3FDB];
	s0 =	simm.s32 @p2 $0x1  }
0x17: {  	s4 =	simm.s32 $0x1BF5;
	[smem:$0x3FB5] =	sst s0  }
0x18: {  	s0 =	sld [smem:$0x3F98];
	_ =	swait.ge [sflag:s4], $0x0  }
0x19: {  	s7 =	sld [smem:$0x3F99]  }
0x1a: {  	s8 =	sadd.s32 $0xFFFFE003, lr  }
0x1b: {  	s9 =	sadd.s32 $0xFFFFFEF7, lr;
	s5 =	simm.s32 $0xFFFFFFFF;
	p2 =	slt.u32 s8, $0xFFFFF086  }
0x1c: {  	p1 =	slt.u32 s9, $0xF7A;
	s5 =	simm.s32 @!p2 $0x0  }
0x1d: {  	s5 =	simm.s32 @p1 $0x1;
	p0 =	seq.s32 s7, s2  }
0x1e: {  	s7 =	smul.u32 @!p0 $0xF7A, s2;
	p2 =	seq.s32 @!p0 s5, $0x0  }
0x1f: {  	s9 =	smul.u32 $0xF7A, s1;
	s8 =	simm.s32 @!p0 $0x1BF5;
	p2 =	por !p2, p0  }
0x20: {  	[sflag:s8] =	ssyncset.s32 @!p0 $0xFFFFF086;
	s6 =	sadd.s32 @!p0 s3, s7;
	s7 =	simm.s32 @!p0 $0x108  }
0x21: {  	s3 =	sadd.s32 s3, s9;
	s6 =	sadd.s32 @!p0 $0x88, s6;
	s7 =	simm.s32 @p2 $0x1082  }
0x22: {  	[simem:s7], [sflag:s8] =	dma.local @!p0 [hbm:s6], $0xF7A  }
0x23: {  	s9 =	sor.u32 $0xD0000000, s2;
	s6 =	simm.s32 $0x108;
	_ =	swait.ge @!p0 [sflag:s8], $0x0  }
0x24: {  	s3 =	sadd.s32 $0x88, s3;
	s6 =	simm.s32 @!p1 $0x1082;
	[sflag:s4] =	ssyncset.s32 $0xFFFFF086  }
0x25: {  	[simem:s6], [sflag:s4] =	dma.local [hbm:s3], $0xF7A  }
0x26: {  	[smem:$0x3F99] =	sst s1;
	(tag) =	ssettag s2;
	_ =	strace s9  }
0x27: {  	s1 =	sld [smem:$0x3FA9]  }
0x28: {  	s2 =	sld [smem:$0x3FAA]  }
0x29: {  	s4 =	sld [smem:$0x3FAC]  }
0x2a: {  	p0 =	seq.s32 s5, $0x0;
	s5 =	sld [smem:$0x3FAD]  }
0x2b: {  	s6 =	sld [smem:$0x3FAE]  }
0x2c: {  	s7 =	sld [smem:$0x3FAF]  }
0x2d: {  	s3 =	simm.s32 $0x108;
	s8 =	sld [smem:$0x3FB0]  }
0x2e: {  	s3 =	simm.s32 @!p0 $0x1082;
	s9 =	sld [smem:$0x3FB1]  }
0x2f: {  	lr =	sadd.s32 s0, s3;
	s0 =	sld [smem:$0x3FA8]  }
0x30: {  	s3 =	sld [smem:$0x3FAB]  }
0x31: {  	[smem:$0x3FB4] =	sst s10  }
0x32: {  	s10 =	sld [smem:$0x3FB2];
	_ =	sdelay $0x3  }
0x33: {  	p0 =	seq.s32 s10, $0x1;
	s10 =	sld [smem:$0x3FB4];
	_ =	sdelay $0x3  }
0x34: {  	[smem:$0x3FB4] =	sst s10  }
0x35: {  	s10 =	sld [smem:$0x3FB3];
	_ =	sdelay $0x3  }
0x36: {  	p1 =	seq.s32 s10, $0x1;
	s10 =	sld [smem:$0x3FB4];
	_ =	sdelay $0x3  }
0x37: {  	[smem:$0x3FB4] =	sst s10  }
0x38: {  	s10 =	sld [smem:$0x3FB5]  }
0x39: {  	_ = 	snop;
	(pc) =	sbr.ind lr, $3  }
0x3a: {  	_ = 	snop  }
0x3b: {  	_ = 	snop  }
0x3c: {  	p2 =	seq.s32 s10, $0x1;
	s10 =	sld [smem:$0x3FB4]  }
0x3d: {  	_ =	shalt  }
0x3e: {  	_ =	shalt  }
0x3f: {  	_ =	shalt  }
0x40: {  	_ =	shalt  }
0x41: {  	_ =	shalt  }
0x42: {  	_ =	shalt  }
0x43: {  	_ =	shalt  }
0x44: {  	_ =	shalt  }
0x45: {  	_ =	shalt  }
0x46: {  	_ =	shalt  }
0x47: {  	_ =	shalt  }
0x48: {  	_ =	shalt  }
0x49: {  	_ =	shalt  }
0x4a: {  	_ =	shalt  }
0x4b: {  	_ =	shalt  }
0x4c: {  	_ =	shalt  }
0x4d: {  	_ =	shalt  }
0x4e: {  	_ =	shalt  }
0x4f: {  	_ =	shalt  }
0x50: {  	_ =	shalt  }
0x51: {  	_ =	shalt  }
0x52: {  	_ =	shalt  }
0x53: {  	_ =	shalt  }
0x54: {  	_ =	shalt  }
0x55: {  	_ =	shalt  }
0x56: {  	_ =	shalt  }
0x57: {  	_ =	shalt  }
0x58: {  	_ =	shalt  }
0x59: {  	_ =	shalt  }
0x5a: {  	_ =	shalt  }
0x5b: {  	_ =	shalt  }
0x5c: {  	_ =	shalt  }
0x5d: {  	_ =	shalt  }
0x5e: {  	_ =	shalt  }
0x5f: {  	_ =	shalt  }
0x60: {  	_ =	shalt  }
0x61: {  	_ =	shalt  }
0x62: {  	_ =	shalt  }
0x63: {  	_ =	shalt  }
0x64: {  	_ =	shalt  }
0x65: {  	_ =	shalt  }
0x66: {  	_ =	shalt  }
0x67: {  	_ =	shalt  }
0x68: {  	_ =	shalt  }
0x69: {  	_ =	shalt  }
0x6a: {  	_ =	shalt  }
0x6b: {  	_ =	shalt  }
0x6c: {  	_ =	shalt  }
0x6d: {  	_ =	shalt  }
0x6e: {  	_ =	shalt  }
0x6f: {  	_ =	shalt  }
0x70: {  	_ =	shalt  }
0x71: {  	_ =	shalt  }
0x72: {  	_ =	shalt  }
0x73: {  	_ =	shalt  }
0x74: {  	_ =	shalt  }
0x75: {  	_ =	shalt  }
0x76: {  	_ =	shalt  }
0x77: {  	_ =	shalt  }
0x78: {  	_ =	shalt  }
0x79: {  	_ =	shalt  }
0x7a: {  	_ =	shalt  }
0x7b: {  	_ =	shalt  }
0x7c: {  	_ =	shalt  }
0x7d: {  	_ =	shalt  }
0x7e: {  	_ =	shalt  }
0x7f: {  	_ =	shalt  }
0x80: {  	_ =	shalt  }
0x81: {  	_ =	shalt  }
0x82: {  	_ =	shalt  }
0x83: {  	_ =	shalt  }
0x84: {  	_ =	shalt  }
0x85: {  	_ =	shalt  }
0x86: {  	_ =	shalt  }
0x87: {  	_ =	shalt  }
.Lfunc_end0:
.L_simem_size_0:
called_computation_lowered:
.L_overlay_start_0:
0x88: {  	s2 =	sld [smem:$0x3FD9]  }
0x89: {  	s3 =	sld [smem:$0x3FFE];
	_ =	sdelay $0x1  }
0x8a: {  	s1 =	srdreg.scid  }
0x8b: {  	s0 =	sand.u32 $0x1, s1  }
0x8c: {  	s17 =	sshll.u32 s0, $0xA;
	s2 =	sadd.s32 s3, s2  }
0x8d: {  	s2 =	sadd.s32 s2, s17  }
0x8e: {  	[smem:$0x3FC0] =	sst s2  }
0x8f: {  	_ = 	snop  }
0x90: {  	s2 =	sld [smem:$0x3FD0];
	(tm) =	ssettm $0x1  }
0x91: {  	s18 =	sld [smem:$0x3FFB];
	_ =	sdelay $0x3  }
0x92: {  	_ =	strace s18  }
0x93: {  	s3 =	sld [smem:$0x3FFC];
	_ =	sdelay $0x3  }
0x94: {  	_ =	strace s3  }
0x95: {  	s3 =	sld [smem:$0x3FFD];
	_ =	sdelay $0x3  }
0x96: {  	_ =	strace s3  }
0x97: {  	_ =	strace $0x8FFFFFFF  }
0x98: {  	s19 =	sld [smem:$0x3FDB];
	_ =	sdelay $0x1  }
0x99: {  	s4 =	simm.s32 $_scs_section_size  }
0x9a: {  	s5 =	simm.s32 $_size__tile_overlayer_lowered;
	s6 =	simm.s32 $_tile_overlayer_lowered  }
0x9b: {  	s22 =	simm.s32 $0x1BFF;
	s21 =	sshll.u32 s6, $0x1;
	s3 =	sadd.s32 s4, s19  }
0x9c: {  	s7 =	simm.s32 $0x0;
	s20 =	sshll.u32 s5, $0x1;
	s5 =	sadd.s32 s21, s3  }
0x9d: {  	[timem:s7], [sflag:s22] =	dma.local [hbm:s5], s20  }
0x9e: {  	_ =	swait.ge [sflag:s22], s20  }
0x9f: {  	s4 =	ssub.s32 $0x0, s20;
	[sflag:s22] =	ssyncset.done $0x0  }
0xa0: {  	[sflag:s22] =	ssyncadd.s32 s4;
	_ =	sdelay $0x1  }
0xa1: {  	s23 =	simm.s32 $0x1B8B  }
0xa2: {  	_ =	swait.ge [sflag:s23], $0x1  }
0xa3: {  	[sflag:s23] =	ssyncset.done $0x0  }
0xa4: {  	s25 =	simm.s32 $0x1B8E;
	s24 =	sld [smem:$0x3FFE];
	[sflag:s23] =	ssyncadd.s32 $0xFFFFFFFF  }
0xa5: {  	s26 =	simm.s32 $execute0_lowered;
	[smem:$0x3FD2] =	sst s25  }
0xa6: {  	s5 =	sshll.u32 s26, $0x1;
	_ =	strace $0x80000046;
	[dreg:$0x1] =	wrdreg $0xFFFFFFFF  }
0xa7: {  	s28 =	simm.s32 $_size_execute0_lowered;
	s3 =	sadd.s32 s3, s5;
	[dreg:$0x0] =	wrdreg $0x0  }
0xa8: {  	s5 =	sshll.u32 s28, $0x1;
	[dreg:$0x2] =	wrdreg s3  }
0xa9: {  	[dreg:$0x3] =	wrdreg s5  }
0xaa: {  	[dreg:$0x4] =	wrdreg $0xC0  }
0xab: {  	_ =	task [dreg:s7], $0x5FFFF  }
0xac: {  	[dreg:$0x1] =	wrdreg $0xFFFFFFFF  }
0xad: {  	[dreg:$0x0] =	wrdreg $0x60  }
0xae: {  	[dreg:$0x2] =	wrdreg s2  }
0xaf: {  	[dreg:$0x3] =	wrdreg s24  }
0xb0: {  	[dreg:$0x4] =	wrdreg $0x0  }
0xb1: {  	[dreg:$0x5] =	wrdreg $0x28000  }
0xb2: {  	[dreg:$0x6] =	wrdreg $0x9  }
0xb3: {  	_ =	task.clear_ibuf [dreg:s7], $0x7FFFF;
	_ =	strace $0x90000046  }
0xb4: {  	s29 =	simm.s32 $0x9;
	_ =	strace $0x80000048  }
0xb5: {  	_ =	swait.ge [sflag:s29], $0x1  }
0xb6: {  	[sflag:s29] =	ssyncadd.s32 $0xFFFFFFFF  }
0xb7: {  	_ =	strace $0x90000048  }
0xb8: {  	_ =	sfence  }
0xb9: {  	s30 =	sld [smem:$0x0];
	_ =	sdelay $0x2  }
0xba: {  	s31 =	sshll.u32 s1, $0xD;
	s1 =	sshrl.u32 s1, $0x2  }
0xbb: {  	s3 =	sand.u32 $0x4000, s31;
	s1 =	sadd.s32 s1, s30  }
0xbc: {  	s0 =	sor.u32 s3, s0;
	s1 =	sshll.u32 s1, $0x11  }
0xbd: {  	s0 =	sor.u32 s1, s0  }
0xbe: {  	s0 =	sadd.s32 $0x8F2B, s0  }
0xbf: {  	[sflag:s0] =	ssyncadd.remote.s32 $0x1  }
0xc0: {  	_ =	sfence.sel $0xFFFF  }
0xc1: {  	[dreg:$0x0] =	wrdreg $0xFFFFFFFF;
	(pc) =	sbr.abs _section_cstart, $3  }
0xc2: {  	[dreg:$0x1] =	wrdreg $0xFFFFFFFF  }
0xc3: {  	_ =	task.clear_ibuf [dreg:s7], $0x2FFFF;
	_ =	strace $0x9FFFFFFF  }
0xc4: {  	(tm) =	ssettm $0x7FFFFFFF  }
0xc5: {  	_ =	shalt  }
tec
execute0_lowered:
.L_overlay_start_1:
0x0: {  	(tag) =	ssettag $0x1  }
0x1: {  	s1 =	rddreg [dreg:$0x0]  }
0x2: {  	s9 =	rddreg [dreg:$0x1]  }
0x3: {  	s0 =	srdreg.scid;
	s3 =	rddreg [dreg:$0x2]  }
0x4: {  	s4 =	rddreg [dreg:$0x3];
	s5 =	simm.s32 $0x0;
	s18 =	simm.s32 $0x5200  }
0x5: {  	s19 =	simm.s32 $0x80;
	s8 =	sand.u32 $0x1, s0;
	s0 =	stileid.u32  }
0x6: {  	s20 =	simm.s32 $0x7980;
	s21 =	simm.s32 $0x1;
	s10 =	smul.u32 $0x2800, s0  }
0x7: {  	s22 =	simm.s32 $0x8180;
	s23 =	simm.s32 $0x0;
	s11 =	smul.u32 $0x28000, s8  }
0x8: {  	[smem:$0x7FF] =	sst s5;
	s7 =	sadd.s32 $0x15200, s9;
	s12 =	smul.u32 $0x280, s0  }
0x9: {  	s2 =	sshll.u32 s8, $0x4;
	s14 =	smul.u32 $0x2800, s8;
	s8 =	ssub.s32 $0x2, s8  }
0xa: {  	s31 =	sshll.u32 s0, $0x6;
	s2 =	sor.u32 s0, s2;
	s15 =	sshrl.u32 s8, $0x1  }
0xb: {  	s6 =	smul.u32 $0x4F0, s2;
	s2 =	rddreg [dreg:$0x4];
	_ =	strace $0x80000047  }
0xc: {  	s11 =	sadd.s32 s10, s11;
	s14 =	sadd.s32 s12, s14;
	s15 =	ssub.s32 s8, s15  }
0xd: {  	s16 =	sadd.s32 s10, s3;
	s8 =	sor.u32 $0x1C02, s31;
	s17 =	sadd.s32 s12, s4  }
0xe: {  	s11 =	sshrl.u32 s11, $0x3;
	s14 =	sshrl.u32 s14, $0x3;
	s13 =	sadd.s32 s6, s9  }
0xf: {  	s6 =	sadd.s32 $0x15400, s9;
	s11 =	sadd.s32 s11, s9;
	s14 =	sadd.s32 s14, s9  }
0x10: {  	s9 =	sadd.s32 $0xB400, s13;
	s10 =	sadd.s32 $0x1600, s13;
	s11 =	sadd.s32 $0x15A00, s11  }
0x11: {  	s12 =	sadd.s32 $0x1FA00, s14;
	s13 =	smax.u32 s15, $0x1;
	s14 =	sshrl.u32 s16, $0x3  }
0x12: {  	v0 =	vimm.f32 $1.000000000e+00;
	s15 =	simm.s32 $0x2;
	s16 =	sshrl.u32 s17, $0x3;
	s17 =	simm.s32 $0x2A80  }
.LBB2_1:
0x13: {  	[spmem:s14], [sflag:s8] =	dma.local [hbm:s6], $0x500  }
0x14: {  	_ =	swait.ge [sflag:s15], $0x500  }
0x15: {  	[sflag:s15] =	ssyncset.done $0x0  }
0x16: {  	[sflag:s15] =	ssyncadd.s32 $0xFFFFFB00  }
0x17: {  	[spmem:s16], [sflag:s8] =	dma.local [hbm:s7], $0x50  }
0x18: {  	_ =	swait.ge [sflag:s15], $0x50  }
0x19: {  	[sflag:s15] =	ssyncset.done $0x0  }
0x1a: {  	[sflag:s15] =	ssyncadd.s32 $0xFFFFFFB0  }
0x1b: {  	[tilespmem:$0x8180] =	vst v0  }
0x1c: {  	[tilespmem:$0x8190] =	vst v0  }
0x1d: {  	[tilespmem:$0x81A0] =	vst v0  }
0x1e: {  	[tilespmem:$0x81B0] =	vst v0  }
0x1f: {  	[tilespmem:$0x81C0] =	vst v0  }
0x20: {  	[tilespmem:$0x81D0] =	vst v0  }
0x21: {  	[tilespmem:$0x81E0] =	vst v0  }
0x22: {  	[tilespmem:$0x81F0] =	vst v0  }
0x23: {  	[tilespmem:s17], [sflag:$0x2] =	stream.linear.gather [hbm4b:s9+s5], $0x2780, $0x38;
	[tilespmem:$0x8200] =	vst v63  }
0x24: {  	_ =	swait.ge [sflag:s15], $0x2780  }
0x25: {  	[sflag:s15] =	ssyncset.done $0x0  }
0x26: {  	[sflag:s15] =	ssyncadd.s32 $0xFFFFD880  }
0x27: {  	[tilespmem:s18], [sflag:$0x2] =	stream.linear.gather [hbm4b:s10+s5], $0x2780, $0x38;
	[tilespmem:$0x8200] =	vst v63  }
0x28: {  	_ =	swait.ge [sflag:s15], $0x2780  }
0x29: {  	[sflag:s15] =	ssyncset.done $0x0  }
0x2a: {  	[sflag:s15] =	ssyncadd.s32 $0xFFFFD880  }
0x2b: {  	s24 =	simm.s32 $0x2A80;
	[bflag:$0x0] =	sbarrier.arrive $0xFFFF  }
0x2c: {  	[tilespmem:s20], [sflag:$0x1] =	stream.indirect.gather [hbm4b:s1+s19], $0x10, s24, s19, $0xb8;
	[tilespmem:$0x8200] =	vst v63  }
0x2d: {  	_ =	swait.ge [sflag:s21], $0x800  }
0x2e: {  	[sflag:s21] =	ssyncset.done $0x0  }
0x2f: {  	s31 =	simm.s32 $0x5200;
	[sflag:s21] =	ssyncadd.s32 $0xFFFFF800  }
0x30: {  	[spmem:s3] =	stream.indirect.scatter.add.f32 [tilespmem:s20], [sflag:$0x2], $0x10, s31, s19, $0xb8;
	[tilespmem:$0x8200] =	vst v63  }
0x31: {  	_ =	swait.ge [sflag:s15], $0x800  }
0x32: {  	[sflag:s15] =	ssyncset.done $0x0  }
0x33: {  	[sflag:s15] =	ssyncadd.s32 $0xFFFFF800  }
0x34: {  	[spmem:s4] =	stream.indirect.scatter.add.f32 [tilespmem:s22], [sflag:$0x2], $0x1, s31, s19, $0xb8;
	[tilespmem:$0x8200] =	vst v63  }
0x35: {  	_ =	swait.ge [sflag:s15], $0x80  }
0x36: {  	s25 =	simm.s32 $0x400;
	s24 =	simm.s32 $0x80;
	[sflag:s15] =	ssyncset.done $0x0  }
.LBB2_2:
0x37: {  	s26 =	sadd.s32 $0x2A80, s24  }
0x38: {  	[sflag:s15] =	ssyncadd.s32 $0xFFFFFF80;
	s28 =	smov.u32 s25;
	s29 =	sadd.s32 $0x200, s25  }
0x39: {  	[tilespmem:s20], [sflag:$0x1] =	stream.indirect.gather [hbm4b:s1+s19], $0x10, s26, s19, $0xb8;
	[tilespmem:$0x8200] =	vst v63  }
0x3a: {  	p0 =	sne.s32 s25, $0x9C00;
	_ =	swait.ge [sflag:s21], $0x800  }
0x3b: {  	[sflag:s21] =	ssyncset.done $0x0  }
0x3c: {  	s24 =	sadd.s32 $0x5200, s24;
	[sflag:s21] =	ssyncadd.s32 $0xFFFFF800  }
0x3d: {  	[spmem:s3] =	stream.indirect.scatter.add.f32 [tilespmem:s20], [sflag:$0x2], $0x10, s24, s19, $0xb8;
	[tilespmem:$0x8200] =	vst v63  }
0x3e: {  	_ =	swait.ge [sflag:s15], $0x800  }
.Ltmp0:
0x3f: {  	[sflag:s15] =	ssyncset.done $0x0;
	(pc) =	sbr.rel @p0 .LBB2_2-.Ltmp0, $4  }
0x40: {  	[sflag:s15] =	ssyncadd.s32 $0xFFFFF800  }
0x41: {  	[spmem:s4] =	stream.indirect.scatter.add.f32 [tilespmem:s22], [sflag:$0x2], $0x1, s24, s19, $0xb8;
	[tilespmem:$0x8200] =	vst v63  }
0x42: {  	_ =	swait.ge [sflag:s15], $0x80  }
0x43: {  	s25 =	smov.u32 s29;
	s24 =	sshra.s32 s28, $0x2;
	[sflag:s15] =	ssyncset.done $0x0  }
0x44: {  	s25 =	sadd.s32 $0x2A80, s24;
	[sflag:s15] =	ssyncadd.s32 $0xFFFFFF80  }
0x45: {  	[tilespmem:s20], [sflag:$0x1] =	stream.indirect.gather [hbm4b:s1+s19], $0x10, s25, s19, $0xb8;
	[tilespmem:$0x8200] =	vst v63  }
0x46: {  	_ =	swait.ge [sflag:s21], $0x800  }
0x47: {  	[sflag:s21] =	ssyncset.done $0x0  }
0x48: {  	s31 =	sadd.s32 $0x5200, s24;
	[sflag:s21] =	ssyncadd.s32 $0xFFFFF800  }
0x49: {  	[spmem:s3] =	stream.indirect.scatter.add.f32 [tilespmem:s20], [sflag:$0x2], $0x10, s31, s19, $0xb8;
	[tilespmem:$0x8200] =	vst v63  }
0x4a: {  	_ =	swait.ge [sflag:s15], $0x800  }
0x4b: {  	[sflag:s15] =	ssyncset.done $0x0  }
0x4c: {  	[sflag:s15] =	ssyncadd.s32 $0xFFFFF800  }
0x4d: {  	[spmem:s4] =	stream.indirect.scatter.add.f32 [tilespmem:s22], [sflag:$0x2], $0x1, s31, s19, $0xb8;
	[tilespmem:$0x8200] =	vst v63  }
0x4e: {  	_ =	swait.ge [sflag:s15], $0x80  }
0x4f: {  	[sflag:s15] =	ssyncset.done $0x0  }
0x50: {  	[sflag:s15] =	ssyncadd.s32 $0xFFFFFF80  }
0x51: {  	[bflag:$0x0] =	sbarrier.arrive $0xFFFF  }
0x52: {  	[hbm:s11], [sflag:s8] =	dma.local [spmem:s14], $0x500  }
0x53: {  	s23 =	sadd.s32 $0x1, s23;
	_ =	swait.ge [sflag:s15], $0x500  }
0x54: {  	p0 =	sne.s32 s23, s13;
	[sflag:s15] =	ssyncset.done $0x0  }
.Ltmp1:
0x55: {  	[sflag:s15] =	ssyncadd.s32 $0xFFFFFB00;
	(pc) =	sbr.rel @p0 .LBB2_1-.Ltmp1, $4  }
0x56: {  	[hbm:s12], [sflag:s8] =	dma.local [spmem:s16], $0x50  }
0x57: {  	_ =	swait.ge [sflag:s15], $0x50  }
0x58: {  	[sflag:s15] =	ssyncset.done $0x0  }
0x59: {  	[sflag:s15] =	ssyncadd.s32 $0xFFFFFFB0  }
0x5a: {  	_ =	sfence.sel $0x180000  }
0x5b: {  	[bflag:$0x0] =	sbarrier.arrive $0xFFFF  }
0x5c: {  	p0 =	sne.s32 s0, $0x0;
	_ =	strace $0x90000047  }
0x5d: {  	s0 =	sadd.s32 @!p0 $0x100000, s2;
	[bflag:$0x2] =	sbarrier.arrive $0xFFFF  }
0x5e: {  	[sflag:s0] =	ssyncadd.tile.s32 @!p0 $0x1;
	_ =	shalt  }
.Lfunc_end2:
_tile_overlayer_lowered:
.L_overlay_start_2:
0x5f: {  	(tag) =	ssettag $0x2  }
0x60: {  	s0 =	rddreg [dreg:$0x0];
	s2 =	stileid.u32  }
0x61: {  	s1 =	rddreg [dreg:$0x1];
	p0 =	sne.s32 s2, $0x0  }
0x62: {  	s3 =	rddreg [dreg:$0x2];
	[bflag:$0x3] =	sbarrier.arrive $0xFFFF;
	s2 =	simm.s32 @!p0 $0x1C02  }
0x63: {  	[timem:s3], [sflag:s2] =	dma.local @!p0 [hbm:s0], s1  }
0x64: {  	s0 =	simm.s32 @!p0 $0x2  }
0x65: {  	_ =	swait.ge @!p0 [sflag:s0], s1  }
0x66: {  	s1 =	ssub.s32 @!p0 $0x0, s1;
	[sflag:s0] =	ssyncset.done @!p0 $0x0  }
0x67: {  	[sflag:s0] =	ssyncadd.s32 @!p0 s1  }
0x68: {  	[bflag:$0x3] =	sbarrier.arrive $0xFFFF  }
0x69: {  	_ =	shalt  }

// kernel: kernel.9.cloned.1.call-start
scs
__scs_entry_jumppad:
0x0: {  	(pc) =	sbr.rel $0x88, $3  }
0x1: {  	(tag) =	ssettag $0x0;
	lr =	simm.s32 $0x1  }
0x2: {  	[smem:$0x3F99] =	sst lr;
	_ =	strace $0xD0000000  }
0x3: {  	_ = 	snop  }
0x4: {  	_ = 	snop  }
0x5: {  	_ = 	snop  }
0x6: {  	_ = 	snop  }
0x7: {  	_ = 	snop  }
__scs_overlays_trampoline_lowered:
0x8: {  	[smem:$0x3FA8] =	sst s0  }
0x9: {  	[smem:$0x3FA9] =	sst s1  }
0xa: {  	[smem:$0x3FAA] =	sst s2  }
0xb: {  	[smem:$0x3FAB] =	sst s3  }
0xc: {  	[smem:$0x3FAC] =	sst s4  }
0xd: {  	[smem:$0x3FAD] =	sst s5  }
0xe: {  	[smem:$0x3FAE] =	sst s6  }
0xf: {  	[smem:$0x3FAF] =	sst s7  }
0x10: {  	[smem:$0x3FB0] =	sst s8  }
0x11: {  	[smem:$0x3FB1] =	sst s9;
	s0 =	simm.s32 @!p0 $0x0  }
0x12: {  	s1 =	sld [smem:$0x3F97];
	s0 =	simm.s32 @p0 $0x1  }
0x13: {  	[smem:$0x3FB2] =	sst s0;
	s0 =	simm.s32 @!p1 $0x0  }
0x14: {  	s2 =	sld [smem:$0x3F96];
	s0 =	simm.s32 @p1 $0x1  }
0x15: {  	[smem:$0x3FB3] =	sst s0;
	s0 =	simm.s32 @!p2 $0x0  }
0x16: {  	s3 =	sld [smem:$0x3FDB];
	s0 =	simm.s32 @p2 $0x1  }
0x17: {  	s4 =	simm.s32 $0x1BF5;
	[smem:$0x3FB5] =	sst s0  }
0x18: {  	s0 =	sld [smem:$0x3F98];
	_ =	swait.ge [sflag:s4], $0x0  }
0x19: {  	s7 =	sld [smem:$0x3F99]  }
0x1a: {  	s8 =	sadd.s32 $0xFFFFE003, lr  }
0x1b: {  	s9 =	sadd.s32 $0xFFFFFEF7, lr;
	s5 =	simm.s32 $0xFFFFFFFF;
	p2 =	slt.u32 s8, $0xFFFFF086  }
0x1c: {  	p1 =	slt.u32 s9, $0xF7A;
	s5 =	simm.s32 @!p2 $0x0  }
0x1d: {  	s5 =	simm.s32 @p1 $0x1;
	p0 =	seq.s32 s7, s2  }
0x1e: {  	s7 =	smul.u32 @!p0 $0xF7A, s2;
	p2 =	seq.s32 @!p0 s5, $0x0  }
0x1f: {  	s9 =	smul.u32 $0xF7A, s1;
	s8 =	simm.s32 @!p0 $0x1BF5;
	p2 =	por !p2, p0  }
0x20: {  	[sflag:s8] =	ssyncset.s32 @!p0 $0xFFFFF086;
	s6 =	sadd.s32 @!p0 s3, s7;
	s7 =	simm.s32 @!p0 $0x108  }
0x21: {  	s3 =	sadd.s32 s3, s9;
	s6 =	sadd.s32 @!p0 $0x88, s6;
	s7 =	simm.s32 @p2 $0x1082  }
0x22: {  	[simem:s7], [sflag:s8] =	dma.local @!p0 [hbm:s6], $0xF7A  }
0x23: {  	s9 =	sor.u32 $0xD0000000, s2;
	s6 =	simm.s32 $0x108;
	_ =	swait.ge @!p0 [sflag:s8], $0x0  }
0x24: {  	s3 =	sadd.s32 $0x88, s3;
	s6 =	simm.s32 @!p1 $0x1082;
	[sflag:s4] =	ssyncset.s32 $0xFFFFF086  }
0x25: {  	[simem:s6], [sflag:s4] =	dma.local [hbm:s3], $0xF7A  }
0x26: {  	[smem:$0x3F99] =	sst s1;
	(tag) =	ssettag s2;
	_ =	strace s9  }
0x27: {  	s1 =	sld [smem:$0x3FA9]  }
0x28: {  	s2 =	sld [smem:$0x3FAA]  }
0x29: {  	s4 =	sld [smem:$0x3FAC]  }
0x2a: {  	p0 =	seq.s32 s5, $0x0;
	s5 =	sld [smem:$0x3FAD]  }
0x2b: {  	s6 =	sld [smem:$0x3FAE]  }
0x2c: {  	s7 =	sld [smem:$0x3FAF]  }
0x2d: {  	s3 =	simm.s32 $0x108;
	s8 =	sld [smem:$0x3FB0]  }
0x2e: {  	s3 =	simm.s32 @!p0 $0x1082;
	s9 =	sld [smem:$0x3FB1]  }
0x2f: {  	lr =	sadd.s32 s0, s3;
	s0 =	sld [smem:$0x3FA8]  }
0x30: {  	s3 =	sld [smem:$0x3FAB]  }
0x31: {  	[smem:$0x3FB4] =	sst s10  }
0x32: {  	s10 =	sld [smem:$0x3FB2];
	_ =	sdelay $0x3  }
0x33: {  	p0 =	seq.s32 s10, $0x1;
	s10 =	sld [smem:$0x3FB4];
	_ =	sdelay $0x3  }
0x34: {  	[smem:$0x3FB4] =	sst s10  }
0x35: {  	s10 =	sld [smem:$0x3FB3];
	_ =	sdelay $0x3  }
0x36: {  	p1 =	seq.s32 s10, $0x1;
	s10 =	sld [smem:$0x3FB4];
	_ =	sdelay $0x3  }
0x37: {  	[smem:$0x3FB4] =	sst s10  }
0x38: {  	s10 =	sld [smem:$0x3FB5]  }
0x39: {  	_ = 	snop;
	(pc) =	sbr.ind lr, $3  }
0x3a: {  	_ = 	snop  }
0x3b: {  	_ = 	snop  }
0x3c: {  	p2 =	seq.s32 s10, $0x1;
	s10 =	sld [smem:$0x3FB4]  }
0x3d: {  	_ =	shalt  }
0x3e: {  	_ =	shalt  }
0x3f: {  	_ =	shalt  }
0x40: {  	_ =	shalt  }
0x41: {  	_ =	shalt  }
0x42: {  	_ =	shalt  }
0x43: {  	_ =	shalt  }
0x44: {  	_ =	shalt  }
0x45: {  	_ =	shalt  }
0x46: {  	_ =	shalt  }
0x47: {  	_ =	shalt  }
0x48: {  	_ =	shalt  }
0x49: {  	_ =	shalt  }
0x4a: {  	_ =	shalt  }
0x4b: {  	_ =	shalt  }
0x4c: {  	_ =	shalt  }
0x4d: {  	_ =	shalt  }
0x4e: {  	_ =	shalt  }
0x4f: {  	_ =	shalt  }
0x50: {  	_ =	shalt  }
0x51: {  	_ =	shalt  }
0x52: {  	_ =	shalt  }
0x53: {  	_ =	shalt  }
0x54: {  	_ =	shalt  }
0x55: {  	_ =	shalt  }
0x56: {  	_ =	shalt  }
0x57: {  	_ =	shalt  }
0x58: {  	_ =	shalt  }
0x59: {  	_ =	shalt  }
0x5a: {  	_ =	shalt  }
0x5b: {  	_ =	shalt  }
0x5c: {  	_ =	shalt  }
0x5d: {  	_ =	shalt  }
0x5e: {  	_ =	shalt  }
0x5f: {  	_ =	shalt  }
0x60: {  	_ =	shalt  }
0x61: {  	_ =	shalt  }
0x62: {  	_ =	shalt  }
0x63: {  	_ =	shalt  }
0x64: {  	_ =	shalt  }
0x65: {  	_ =	shalt  }
0x66: {  	_ =	shalt  }
0x67: {  	_ =	shalt  }
0x68: {  	_ =	shalt  }
0x69: {  	_ =	shalt  }
0x6a: {  	_ =	shalt  }
0x6b: {  	_ =	shalt  }
0x6c: {  	_ =	shalt  }
0x6d: {  	_ =	shalt  }
0x6e: {  	_ =	shalt  }
0x6f: {  	_ =	shalt  }
0x70: {  	_ =	shalt  }
0x71: {  	_ =	shalt  }
0x72: {  	_ =	shalt  }
0x73: {  	_ =	shalt  }
0x74: {  	_ =	shalt  }
0x75: {  	_ =	shalt  }
0x76: {  	_ =	shalt  }
0x77: {  	_ =	shalt  }
0x78: {  	_ =	shalt  }
0x79: {  	_ =	shalt  }
0x7a: {  	_ =	shalt  }
0x7b: {  	_ =	shalt  }
0x7c: {  	_ =	shalt  }
0x7d: {  	_ =	shalt  }
0x7e: {  	_ =	shalt  }
0x7f: {  	_ =	shalt  }
0x80: {  	_ =	shalt  }
0x81: {  	_ =	shalt  }
0x82: {  	_ =	shalt  }
0x83: {  	_ =	shalt  }
0x84: {  	_ =	shalt  }
0x85: {  	_ =	shalt  }
0x86: {  	_ =	shalt  }
0x87: {  	_ =	shalt  }
.Lfunc_end0:
.L_simem_size_0:
called_computation.1_lowered:
.L_overlay_start_0:
0x88: {  	s2 =	sld [smem:$0x3FD9]  }
0x89: {  	s3 =	sld [smem:$0x3FFE];
	_ =	sdelay $0x1  }
0x8a: {  	s1 =	srdreg.scid  }
0x8b: {  	s0 =	sand.u32 $0x1, s1  }
0x8c: {  	s16 =	sshll.u32 s0, $0xA;
	s2 =	sadd.s32 s3, s2  }
0x8d: {  	s2 =	sadd.s32 s2, s16  }
0x8e: {  	[smem:$0x3FC0] =	sst s2  }
0x8f: {  	_ = 	snop  }
0x90: {  	(tm) =	ssettm $0x1  }
0x91: {  	s17 =	sld [smem:$0x3FFB];
	_ =	sdelay $0x3  }
0x92: {  	_ =	strace s17  }
0x93: {  	s2 =	sld [smem:$0x3FFC];
	_ =	sdelay $0x3  }
0x94: {  	_ =	strace s2  }
0x95: {  	s2 =	sld [smem:$0x3FFD];
	_ =	sdelay $0x3  }
0x96: {  	_ =	strace s2  }
0x97: {  	_ =	strace $0x8FFFFFFF  }
0x98: {  	s18 =	sld [smem:$0x3FDB];
	_ =	sdelay $0x1  }
0x99: {  	s19 =	simm.s32 $_scs_section_size  }
0x9a: {  	s4 =	simm.s32 $_size__tile_overlayer_lowered;
	s5 =	simm.s32 $_tile_overlayer_lowered  }
0x9b: {  	s22 =	simm.s32 $0x1BFF;
	s21 =	sshll.u32 s5, $0x1;
	s2 =	sadd.s32 s19, s18  }
0x9c: {  	s6 =	simm.s32 $0x0;
	s20 =	sshll.u32 s4, $0x1;
	s4 =	sadd.s32 s21, s2  }
0x9d: {  	[timem:s6], [sflag:s22] =	dma.local [hbm:s4], s20  }
0x9e: {  	_ =	swait.ge [sflag:s22], s20  }
0x9f: {  	s3 =	ssub.s32 $0x0, s20;
	[sflag:s22] =	ssyncset.done $0x0  }
0xa0: {  	[sflag:s22] =	ssyncadd.s32 s3;
	_ =	sdelay $0x1  }
0xa1: {  	s23 =	simm.s32 $0x1B8B  }
0xa2: {  	_ =	swait.ge [sflag:s23], $0x1  }
0xa3: {  	[sflag:s23] =	ssyncset.done $0x0  }
0xa4: {  	s25 =	simm.s32 $0x1B8E;
	s24 =	sld [smem:$0x3FFE];
	[sflag:s23] =	ssyncadd.s32 $0xFFFFFFFF  }
0xa5: {  	s26 =	simm.s32 $execute0_lowered;
	[smem:$0x3FD2] =	sst s25  }
0xa6: {  	s4 =	sshll.u32 s26, $0x1;
	_ =	strace $0x80000049;
	[dreg:$0x1] =	wrdreg $0xFFFFFFFF  }
0xa7: {  	s28 =	simm.s32 $_size_execute0_lowered;
	s2 =	sadd.s32 s2, s4;
	[dreg:$0x0] =	wrdreg $0x0  }
0xa8: {  	s4 =	sshll.u32 s28, $0x1;
	[dreg:$0x2] =	wrdreg s2  }
0xa9: {  	[dreg:$0x3] =	wrdreg s4  }
0xaa: {  	[dreg:$0x4] =	wrdreg $0xC0  }
0xab: {  	_ =	task [dreg:s6], $0x5FFFF  }
0xac: {  	[dreg:$0x1] =	wrdreg $0xFFFFFFFF  }
0xad: {  	[dreg:$0x0] =	wrdreg $0x60  }
0xae: {  	[dreg:$0x2] =	wrdreg s24  }
0xaf: {  	[dreg:$0x3] =	wrdreg $0x0  }
0xb0: {  	[dreg:$0x4] =	wrdreg $0x9  }
0xb1: {  	_ =	task.clear_ibuf [dreg:s6], $0x5FFFF;
	_ =	strace $0x90000049  }
0xb2: {  	s29 =	simm.s32 $0x9;
	_ =	strace $0x8000004B  }
0xb3: {  	_ =	swait.ge [sflag:s29], $0x1  }
0xb4: {  	[sflag:s29] =	ssyncadd.s32 $0xFFFFFFFF  }
0xb5: {  	_ =	strace $0x9000004B  }
0xb6: {  	_ =	sfence  }
0xb7: {  	s30 =	sld [smem:$0x0];
	_ =	sdelay $0x2  }
0xb8: {  	s31 =	sshll.u32 s1, $0xD;
	s1 =	sshrl.u32 s1, $0x2  }
0xb9: {  	s3 =	sand.u32 $0x4000, s31;
	s1 =	sadd.s32 s1, s30  }
0xba: {  	s0 =	sor.u32 s3, s0;
	s1 =	sshll.u32 s1, $0x11  }
0xbb: {  	s0 =	sor.u32 s1, s0  }
0xbc: {  	s0 =	sadd.s32 $0x8F2B, s0  }
0xbd: {  	[sflag:s0] =	ssyncadd.remote.s32 $0x1  }
0xbe: {  	_ =	sfence.sel $0xFFFF  }
0xbf: {  	[dreg:$0x0] =	wrdreg $0xFFFFFFFF;
	(pc) =	sbr.abs _section_cstart, $3  }
0xc0: {  	[dreg:$0x1] =	wrdreg $0xFFFFFFFF  }
0xc1: {  	_ =	task.clear_ibuf [dreg:s6], $0x2FFFF;
	_ =	strace $0x9FFFFFFF  }
0xc2: {  	(tm) =	ssettm $0x7FFFFFFF  }
0xc3: {  	_ =	shalt  }
tec
execute0_lowered:
.L_overlay_start_1:
0x0: {  	(tag) =	ssettag $0x1  }
0x1: {  	s0 =	rddreg [dreg:$0x0]  }
0x2: {  	s2 =	rddreg [dreg:$0x1]  }
0x3: {  	s8 =	stileid.u32;
	s1 =	srdreg.scid;
	s3 =	simm.s32 $0x0  }
0x4: {  	s18 =	simm.s32 $0x2;
	s21 =	simm.s32 $0x7F00;
	s22 =	simm.s32 $0xA700  }
0x5: {  	s23 =	simm.s32 $0xCF00;
	s28 =	simm.s32 $0x7700;
	s29 =	simm.s32 $0x1  }
0x6: {  	s30 =	simm.s32 $0x0;
	s4 =	smul.u32 $0x280, s8;
	s1 =	sand.u32 $0x1, s1  }
0x7: {  	[smem:$0x7FF] =	sst s3;
	s5 =	smul.u32 $0x2800, s8;
	s31 =	sshll.u32 s8, $0x6  }
0x8: {  	s6 =	sshll.u32 s1, $0x4;
	_ =	strace $0x8000004A;
	s12 =	smul.u32 $0x28000, s1  }
0x9: {  	s1 =	ssub.s32 $0x2, s1;
	s6 =	sor.u32 s8, s6;
	s4 =	sshrl.u32 s4, $0x3  }
0xa: {  	s7 =	sshrl.u32 s5, $0x3;
	s26 =	sshrl.u32 s1, $0x1;
	s17 =	sadd.s32 s5, s2  }
0xb: {  	s6 =	smul.u32 $0x4F0, s6;
	s13 =	sadd.s32 s4, s0;
	s10 =	sadd.s32 s7, s0  }
0xc: {  	s24 =	sadd.s32 s5, s12;
	s4 =	sadd.s32 $0x15400, s0;
	s1 =	ssub.s32 s1, s26  }
0xd: {  	s5 =	sor.u32 $0x1C02, s31;
	s16 =	sshrl.u32 s12, $0x3;
	s17 =	sshrl.u32 s17, $0x3  }
0xe: {  	s26 =	simm.s32 $0x80;
	s14 =	sshrl.u32 s24, $0x3;
	s8 =	sadd.s32 $0x15A00, s10  }
0xf: {  	s9 =	sadd.s32 $0x1AA00, s10;
	s10 =	sadd.s32 $0x20400, s10;
	s11 =	sadd.s32 $0x1FA00, s13  }
0x10: {  	s12 =	sadd.s32 $0x1FF00, s13;
	s24 =	simm.s32 $0xF700;
	s25 =	sadd.s32 s6, s0  }
0x11: {  	s15 =	sadd.s32 s14, s0;
	s0 =	sadd.s32 $0x25400, s0;
	s6 =	sadd.s32 $0xB400, s25  }
0x12: {  	s7 =	sadd.s32 $0x1600, s25;
	s13 =	sadd.s32 s0, s14;
	s14 =	sadd.s32 s0, s16  }
0x13: {  	s15 =	sadd.s32 $0x2F400, s15;
	s16 =	smax.u32 s1, $0x1;
	s25 =	simm.s32 $0xF980  }
.LBB2_1:
0x14: {  	[spmem:s17], [sflag:s5] =	dma.local [hbm:s4], $0x500  }
0x15: {  	_ =	swait.ge [sflag:s18], $0x500  }
0x16: {  	[sflag:s18] =	ssyncset.done $0x0  }
0x17: {  	s0 =	simm.s32 $0x2800;
	[sflag:s18] =	ssyncadd.s32 $0xFFFFFB00  }
0x18: {  	[tilespmem:s0], [sflag:$0x2] =	stream.linear.gather [hbm4b:s6+s3], $0x2780, $0x38;
	[tilespmem:$0xFC00] =	vst v63  }
0x19: {  	_ =	swait.ge [sflag:s18], $0x2780  }
0x1a: {  	[sflag:s18] =	ssyncset.done $0x0  }
0x1b: {  	s31 =	simm.s32 $0x4F80;
	[sflag:s18] =	ssyncadd.s32 $0xFFFFD880  }
0x1c: {  	[tilespmem:s31], [sflag:$0x2] =	stream.linear.gather [hbm4b:s7+s3], $0x2780, $0x38;
	[tilespmem:$0xFC00] =	vst v63  }
0x1d: {  	_ =	swait.ge [sflag:s18], $0x2780  }
0x1e: {  	[sflag:s18] =	ssyncset.done $0x0  }
0x1f: {  	[sflag:s18] =	ssyncadd.s32 $0xFFFFD880  }
0x20: {  	[tilespmem:s21], [sflag:$0x2] =	stream.linear.gather [hbm4b:s8+s3], $0x2800, $0x38;
	[tilespmem:$0xFC00] =	vst v63  }
0x21: {  	_ =	swait.ge [sflag:s18], $0x2800  }
0x22: {  	[sflag:s18] =	ssyncset.done $0x0  }
0x23: {  	[sflag:s18] =	ssyncadd.s32 $0xFFFFD800  }
0x24: {  	[tilespmem:s22], [sflag:$0x2] =	stream.linear.gather [hbm4b:s9+s3], $0x2800, $0x38;
	[tilespmem:$0xFC00] =	vst v63  }
0x25: {  	_ =	swait.ge [sflag:s18], $0x2800  }
0x26: {  	[sflag:s18] =	ssyncset.done $0x0  }
0x27: {  	[sflag:s18] =	ssyncadd.s32 $0xFFFFD800  }
0x28: {  	[tilespmem:s23], [sflag:$0x2] =	stream.linear.gather [hbm4b:s10+s3], $0x2800, $0x38;
	[tilespmem:$0xFC00] =	vst v63  }
0x29: {  	_ =	swait.ge [sflag:s18], $0x2800  }
0x2a: {  	[sflag:s18] =	ssyncset.done $0x0  }
0x2b: {  	[sflag:s18] =	ssyncadd.s32 $0xFFFFD800  }
0x2c: {  	[tilespmem:s24], [sflag:$0x2] =	stream.linear.gather [hbm4b:s11+s3], $0x280, $0x38;
	[tilespmem:$0xFC00] =	vst v63  }
0x2d: {  	_ =	swait.ge [sflag:s18], $0x280  }
0x2e: {  	[sflag:s18] =	ssyncset.done $0x0  }
0x2f: {  	[sflag:s18] =	ssyncadd.s32 $0xFFFFFD80  }
0x30: {  	[tilespmem:s25], [sflag:$0x2] =	stream.linear.gather [hbm4b:s12+s3], $0x280, $0x38;
	[tilespmem:$0xFC00] =	vst v63  }
0x31: {  	_ =	swait.ge [sflag:s18], $0x280  }
0x32: {  	[sflag:s18] =	ssyncset.done $0x0  }
0x33: {  	s0 =	simm.s32 $0x0;
	[sflag:s18] =	ssyncadd.s32 $0xFFFFFD80  }
0x34: {  	s1 =	simm.s32 $0x40;
	v0 =	vld [tilespmem:s0+$0xF980]  }
.LBB2_2:
0x35: {  	p0 =	sne.s32 s1, $0x9C0;
	v1 =	vld [tilespmem:s0+$0xF700];
	_ =	sdelay $0x3  }
.Ltmp0:
0x36: {  	(pc) =	sbr.rel @p0 .LBB2_2-.Ltmp0, $3  }
0x37: {  	v0 =	vadd.f32 v0, v1;
	_ =	sdelay $0x1  }
0x38: {  	s19 =	sshra.s32 s1, $0x2;
	v1 =	vmax.f32 v0, $1.000000000e+00  }
0x39: {  	s1 =	sadd.s32 $0x40, s1;
	v0 =	vld [tilespmem:s19+$0xF980];
	[tilespmem:s0+$0xF700] =	vst v1;
	s0 =	smov.u32 s19  }
0x3a: {  	v1 =	vld [tilespmem:s0+$0xF700];
	_ =	sdelay $0x2  }
0x3b: {  	s1 =	simm.s32 $0x0  }
0x3c: {  	v2 =	vmov s1  }
0x3d: {  	v0 =	vadd.f32 v0, v1;
	_ =	sdelay $0x1  }
0x3e: {  	v0 =	vmax.f32 v0, $1.000000000e+00  }
0x3f: {  	[tilespmem:s0+$0xF700] =	vst v0  }
0x40: {  	v0 =	vld.idx.msk [tilespmem:v2+s24+$0x0], $0xffff;
	_ =	sdelay $0x4  }
0x41: {  	s31 =	simm.s32 $0xA700;
	(erf) = vrcp.f32 v0  }
0x42: {  	s0 =	simm.s32 $0x7F00;
	v1 =	vld [tilespmem:s31+$0x0]  }
0x43: {  	v0 =	vld [tilespmem:s0+$0x0];
	_ =	sdelay $0x3  }
0x44: {  	s1 =	simm.s32 $0xCF00  }
0x45: {  	v1 =	vadd.f32 v1, v0;
	v0 =	vld [tilespmem:s1+$0x0];
	_ =	sdelay $0x1  }
0x46: {  	v2 =	vpop (erf)  }
0x47: {  	s19 =	simm.s32 $0x1;
	v2 =	vmul.f32 v1, v2  }
0x48: {  	v1 =	vmov s19;
	s19 =	simm.s32 $0x2  }
.LBB2_4:
0x49: {  	p0 =	sne.s32 s19, $0x27F;
	v0 =	vadd.f32 v2, v0;
	_ =	sdelay $0x1  }
0x4a: {  	v0 =	vmax.f32 v0, $0.0e+00  }
0x4b: {  	[tilespmem:s0+$0x0] =	vst v0  }
0x4c: {  	v0 =	vld.idx.msk [tilespmem:v1+s24+$0x0], $0xffff;
	_ =	sdelay $0x5  }
0x4d: {  	(erf) = vrcp.f32 v0  }
0x4e: {  	s0 =	sadd.s32 $0x10, s0  }
0x4f: {  	s31 =	sadd.s32 $0x10, s31;
	v1 =	vld [tilespmem:s0+$0x0]  }
0x50: {  	v2 =	vld [tilespmem:s31+$0x0];
	_ =	sdelay $0x2  }
0x51: {  	s1 =	sadd.s32 $0x10, s1  }
.Ltmp1:
0x52: {  	v0 =	vld [tilespmem:s1+$0x0];
	(pc) =	sbr.rel @p0 .LBB2_4-.Ltmp1, $4  }
0x53: {  	v1 =	vadd.f32 v2, v1  }
0x54: {  	v2 =	vpop (erf)  }
0x55: {  	v2 =	vmul.f32 v1, v2  }
0x56: {  	v1 =	vmov s19;
	s19 =	sadd.s32 $0x1, s19  }
0x57: {  	v0 =	vadd.f32 v2, v0;
	_ =	sdelay $0x1  }
0x58: {  	v0 =	vmax.f32 v0, $0.0e+00  }
0x59: {  	[tilespmem:s0+$0x0] =	vst v0  }
0x5a: {  	v0 =	vld.idx.msk [tilespmem:v1+s24+$0x0], $0xffff;
	_ =	sdelay $0x4  }
0x5b: {  	(erf) = vrcp.f32 v0  }
0x5c: {  	s20 =	sadd.s32 $0x10, s0  }
0x5d: {  	s19 =	sadd.s32 $0x10, s31;
	v60 =	vld [tilespmem:s20+$0x0]  }
0x5e: {  	v61 =	vld [tilespmem:s19+$0x0];
	_ =	sdelay $0x2  }
0x5f: {  	s1 =	sadd.s32 $0x10, s1  }
0x60: {  	v62 =	vld [tilespmem:s1+$0x0]  }
0x61: {  	v0 =	vadd.f32 v61, v60  }
0x62: {  	v63 =	vpop (erf)  }
0x63: {  	v0 =	vmul.f32 v0, v63;
	_ =	sdelay $0x1  }
0x64: {  	v0 =	vadd.f32 v0, v62;
	_ =	sdelay $0x1  }
0x65: {  	v0 =	vmax.f32 v0, $0.0e+00  }
0x66: {  	s19 =	simm.s32 $0x0;
	[tilespmem:s20+$0x0] =	vst v0  }
0x67: {  	[hbm4b:s13+s19] =	stream.linear.scatter [tilespmem:s21], [sflag:$0x2], $0x2800, $0x38;
	[tilespmem:$0xFC00] =	vst v63  }
0x68: {  	_ =	swait.ge [sflag:s18], $0x2800  }
0x69: {  	[sflag:s18] =	ssyncset.done $0x0  }
0x6a: {  	[sflag:s18] =	ssyncadd.s32 $0xFFFFD800  }
0x6b: {  	s20 =	simm.s32 $0x2800;
	[bflag:$0x0] =	sbarrier.arrive $0xFFFF  }
0x6c: {  	[tilespmem:s28], [sflag:$0x1] =	stream.indirect.gather [hbm4b:s14+s26], $0x10, s20, s26, $0xb8;
	[tilespmem:$0xFC00] =	vst v63  }
0x6d: {  	_ =	swait.ge [sflag:s29], $0x800  }
0x6e: {  	[sflag:s29] =	ssyncset.done $0x0  }
0x6f: {  	s31 =	simm.s32 $0x4F80;
	[sflag:s29] =	ssyncadd.s32 $0xFFFFF800  }
0x70: {  	[spmem:s2] =	stream.indirect.scatter.add.f32 [tilespmem:s28], [sflag:$0x2], $0x10, s31, s26, $0xb8;
	[tilespmem:$0xFC00] =	vst v63  }
0x71: {  	_ =	swait.ge [sflag:s18], $0x800  }
0x72: {  	s0 =	simm.s32 $0x80;
	s1 =	simm.s32 $0x400;
	[sflag:s18] =	ssyncset.done $0x0  }
.LBB2_6:
0x73: {  	s19 =	sadd.s32 $0x2800, s0  }
0x74: {  	[sflag:s18] =	ssyncadd.s32 $0xFFFFF800;
	s31 =	smov.u32 s1;
	s20 =	sadd.s32 $0x200, s1  }
0x75: {  	[tilespmem:s28], [sflag:$0x1] =	stream.indirect.gather [hbm4b:s14+s26], $0x10, s19, s26, $0xb8;
	[tilespmem:$0xFC00] =	vst v63  }
0x76: {  	p0 =	sne.s32 s1, $0x9C00;
	_ =	swait.ge [sflag:s29], $0x800  }
.Ltmp2:
0x77: {  	[sflag:s29] =	ssyncset.done $0x0;
	(pc) =	sbr.rel @p0 .LBB2_6-.Ltmp2, $4  }
0x78: {  	s0 =	sadd.s32 $0x4F80, s0;
	[sflag:s29] =	ssyncadd.s32 $0xFFFFF800  }
0x79: {  	[spmem:s2] =	stream.indirect.scatter.add.f32 [tilespmem:s28], [sflag:$0x2], $0x10, s0, s26, $0xb8;
	[tilespmem:$0xFC00] =	vst v63  }
0x7a: {  	_ =	swait.ge [sflag:s18], $0x800  }
0x7b: {  	s1 =	smov.u32 s20;
	s0 =	sshra.s32 s31, $0x2;
	[sflag:s18] =	ssyncset.done $0x0  }
0x7c: {  	s1 =	sadd.s32 $0x2800, s0;
	[sflag:s18] =	ssyncadd.s32 $0xFFFFF800  }
0x7d: {  	[tilespmem:s28], [sflag:$0x1] =	stream.indirect.gather [hbm4b:s14+s26], $0x10, s1, s26, $0xb8;
	[tilespmem:$0xFC00] =	vst v63  }
0x7e: {  	_ =	swait.ge [sflag:s29], $0x800  }
0x7f: {  	[sflag:s29] =	ssyncset.done $0x0  }
0x80: {  	s31 =	sadd.s32 $0x4F80, s0;
	[sflag:s29] =	ssyncadd.s32 $0xFFFFF800  }
0x81: {  	[spmem:s2] =	stream.indirect.scatter.add.f32 [tilespmem:s28], [sflag:$0x2], $0x10, s31, s26, $0xb8;
	[tilespmem:$0xFC00] =	vst v63  }
0x82: {  	_ =	swait.ge [sflag:s18], $0x800  }
0x83: {  	s30 =	sadd.s32 $0x1, s30;
	[sflag:s18] =	ssyncset.done $0x0  }
0x84: {  	p0 =	sne.s32 s30, s16;
	[sflag:s18] =	ssyncadd.s32 $0xFFFFF800  }
.Ltmp3:
0x85: {  	[bflag:$0x0] =	sbarrier.arrive $0xFFFF;
	(pc) =	sbr.rel @p0 .LBB2_1-.Ltmp3, $4  }
0x86: {  	[hbm:s15], [sflag:s5] =	dma.local [spmem:s17], $0x500  }
0x87: {  	_ =	swait.ge [sflag:s18], $0x500  }
0x88: {  	[sflag:s18] =	ssyncset.done $0x0  }
0x89: {  	[sflag:s18] =	ssyncadd.s32 $0xFFFFFB00  }
0x8a: {  	_ =	sfence.sel $0x180000  }
0x8b: {  	[bflag:$0x0] =	sbarrier.arrive $0xFFFF  }
0x8c: {  	_ =	strace $0x9000004A  }
0x8d: {  	s0 =	stileid.u32;
	[bflag:$0x2] =	sbarrier.arrive $0xFFFF  }
0x8e: {  	p0 =	sne.s32 s0, $0x0;
	s0 =	rddreg [dreg:$0x2]  }
0x8f: {  	s0 =	sadd.s32 @!p0 $0x100000, s0  }
0x90: {  	[sflag:s0] =	ssyncadd.tile.s32 @!p0 $0x1;
	_ =	shalt  }
.Lfunc_end2:
_tile_overlayer_lowered:
.L_overlay_start_2:
0x91: {  	(tag) =	ssettag $0x2  }
0x92: {  	s0 =	rddreg [dreg:$0x0];
	s2 =	stileid.u32  }
0x93: {  	s1 =	rddreg [dreg:$0x1];
	p0 =	sne.s32 s2, $0x0  }
0x94: {  	s3 =	rddreg [dreg:$0x2];
	[bflag:$0x3] =	sbarrier.arrive $0xFFFF;
	s2 =	simm.s32 @!p0 $0x1C02  }
0x95: {  	[timem:s3], [sflag:s2] =	dma.local @!p0 [hbm:s0], s1  }
0x96: {  	s0 =	simm.s32 @!p0 $0x2  }
0x97: {  	_ =	swait.ge @!p0 [sflag:s0], s1  }
0x98: {  	s1 =	ssub.s32 @!p0 $0x0, s1;
	[sflag:s0] =	ssyncset.done @!p0 $0x0  }
0x99: {  	[sflag:s0] =	ssyncadd.s32 @!p0 s1  }
0x9a: {  	[bflag:$0x3] =	sbarrier.arrive $0xFFFF  }
0x9b: {  	_ =	shalt  }

</sc_bundles>
